<compile_context>
chip_gen: v7x
topology: tpu7x:2x2x1
jax: 0.10.2.dev20260603
libtpu: 0.0.44.dev20260713+nightly
codegen_flags: <defaults>
</compile_context>

<pallas_src>
import functools

import jax
import jax.numpy as jnp
from jax import lax
from jax.experimental import pallas as pl
from jax.experimental.pallas import tpu as pltpu
from jax.experimental.pallas import tpu_sc as plsc

N = 10000
E = 320000
D = 128
NC = 2
NS = 16
NW = NC * NS
EPW = E // NW
CF = 128
NFULL = EPW // CF
REM = EPW - NFULL * CF
NP = 10112
RPS = NP // NS

_mesh = plsc.VectorSubcoreMesh(core_axis_name="c", subcore_axis_name="s")


ZF = RPS // CF
ZR = RPS - ZF * CF


@functools.partial(
    pl.kernel,
    out_type=jax.ShapeDtypeStruct((NC, NP, 16), jnp.float32),
    mesh=_mesh,
    scratch_types=[
        pltpu.VMEM((1, CF), jnp.int32),
        pltpu.VMEM((1, REM), jnp.int32),
        pltpu.VMEM((CF, 16), jnp.float32),
        pltpu.VMEM_SHARED((NP, 16), jnp.float32),
    ],
)
def _sc_degree(dst_hbm, z16_hbm, out_hbm, dsti, dstir, ones, hist_sh):
    cid = lax.axis_index("c")
    sid = lax.axis_index("s")
    wid = sid * NC + cid

    @pl.loop(0, CF)
    def _(r):
        ones[r, :] = jnp.ones((16,), jnp.float32)

    pltpu.sync_copy(z16_hbm, hist_sh)

    plsc.subcore_barrier()

    @pl.loop(0, NFULL)
    def _(j):
        base = wid * EPW + j * CF
        pltpu.sync_copy(dst_hbm.at[pl.ds(base, CF)], dsti.at[0])
        pltpu.sync_copy(ones, hist_sh.at[dsti.at[0]], add=True)

    base = wid * EPW + NFULL * CF
    pltpu.sync_copy(dst_hbm.at[pl.ds(base, REM)], dstir.at[0])
    pltpu.sync_copy(ones.at[pl.ds(0, REM)], hist_sh.at[dstir.at[0]], add=True)

    plsc.subcore_barrier()
    pltpu.sync_copy(hist_sh, out_hbm.at[cid])


@functools.partial(
    pl.kernel,
    out_type=jax.ShapeDtypeStruct((NC, NP, D), jnp.float32),
    mesh=_mesh,
    scratch_types=[
        pltpu.VMEM((CF,), jnp.int32),
        pltpu.VMEM((REM,), jnp.int32),
        pltpu.VMEM((1, CF), jnp.int32),
        pltpu.VMEM((1, REM), jnp.int32),
        pltpu.VMEM((ZF, CF), jnp.int32),
        pltpu.VMEM((1, ZR), jnp.int32),
        pltpu.VMEM((CF, D), jnp.float32),
        pltpu.VMEM_SHARED((NP, D), jnp.float32),
        pltpu.SemaphoreType.DMA,
    ],
)
def _sc_scatter(hp_hbm, src_hbm, dst_hbm, rowid_hbm, out_hbm,
                srci, srcir, dsti, dstir, ridf, ridr, rows, acc_sh, sem):
    cid = lax.axis_index("c")
    sid = lax.axis_index("s")
    wid = sid * NC + cid

    for k in range(ZF):
        pltpu.sync_copy(rowid_hbm.at[pl.ds(sid * RPS + k * CF, CF)],
                        ridf.at[k])
    pltpu.sync_copy(rowid_hbm.at[pl.ds(sid * RPS + ZF * CF, ZR)], ridr.at[0])

    @pl.loop(0, CF)
    def _(r):
        @pl.loop(0, D, step=16)
        def _(c0):
            rows[r, pl.ds(c0, 16)] = jnp.zeros((16,), jnp.float32)

    for k in range(ZF):
        pltpu.sync_copy(rows, acc_sh.at[ridf.at[k]])
    pltpu.sync_copy(rows.at[pl.ds(0, ZR)], acc_sh.at[ridr.at[0]])

    plsc.subcore_barrier()

    @pl.loop(0, NFULL)
    def _(j):
        base = wid * EPW + j * CF
        pltpu.sync_copy(src_hbm.at[pl.ds(base, CF)], srci)
        pltpu.sync_copy(dst_hbm.at[pl.ds(base, CF)], dsti.at[0])
        pltpu.async_copy(hp_hbm.at[srci], rows, sem).wait()
        pltpu.sync_copy(rows, acc_sh.at[dsti.at[0]], add=True)

    base = wid * EPW + NFULL * CF
    pltpu.sync_copy(src_hbm.at[pl.ds(base, REM)], srcir)
    pltpu.sync_copy(dst_hbm.at[pl.ds(base, REM)], dstir.at[0])
    pltpu.async_copy(hp_hbm.at[srcir], rows.at[pl.ds(0, REM)], sem).wait()
    pltpu.sync_copy(rows.at[pl.ds(0, REM)], acc_sh.at[dstir.at[0]], add=True)

    plsc.subcore_barrier()
    pltpu.sync_copy(acc_sh, out_hbm.at[cid])


def _tc_matmul_body(x_ref, w_ref, o_ref):
    o_ref[...] = jnp.dot(x_ref[...], w_ref[...],
                         preferred_element_type=jnp.float32)


def _tc_matmul(x, w):
    blk = 1000
    return pl.pallas_call(
        _tc_matmul_body,
        grid=(N // blk,),
        in_specs=[pl.BlockSpec((blk, D), lambda i: (i, 0)),
                  pl.BlockSpec((D, D), lambda i: (0, 0))],
        out_specs=pl.BlockSpec((blk, D), lambda i: (i, 0)),
        out_shape=jax.ShapeDtypeStruct((N, D), jnp.float32),
    )(x, w)


def _tc_scale_body(hist_ref, h_ref, o_ref):
    deg = hist_ref[0, :, 0:1] + hist_ref[1, :, 0:1] + 1.0
    dis = lax.rsqrt(deg)
    o_ref[...] = dis * h_ref[...]


def _tc_scale(hist, h):
    blk = 1000
    return pl.pallas_call(
        _tc_scale_body,
        grid=(N // blk,),
        in_specs=[pl.BlockSpec((NC, blk, 16), lambda i: (0, i, 0)),
                  pl.BlockSpec((blk, D), lambda i: (i, 0))],
        out_specs=pl.BlockSpec((blk, D), lambda i: (i, 0)),
        out_shape=jax.ShapeDtypeStruct((N, D), jnp.float32),
    )(hist, h)


def _tc_final_body(acc_ref, hp_ref, hist_ref, b_ref, o_ref):
    deg = hist_ref[0, :, 0:1] + hist_ref[1, :, 0:1] + 1.0
    dis = lax.rsqrt(deg)
    s = acc_ref[0] + acc_ref[1] + hp_ref[...]
    o_ref[...] = jnp.maximum(dis * s + b_ref[...], 0.0)


def _tc_final(acc, hp, hist, b2):
    blk = 1000
    return pl.pallas_call(
        _tc_final_body,
        grid=(N // blk,),
        in_specs=[pl.BlockSpec((NC, blk, D), lambda i: (0, i, 0)),
                  pl.BlockSpec((blk, D), lambda i: (i, 0)),
                  pl.BlockSpec((NC, blk, 16), lambda i: (0, i, 0)),
                  pl.BlockSpec((1, D), lambda i: (0, 0))],
        out_specs=pl.BlockSpec((blk, D), lambda i: (i, 0)),
        out_shape=jax.ShapeDtypeStruct((N, D), jnp.float32),
    )(acc, hp, hist, b2)


def kernel(x, edge_index, W, b, pretrain):
    del pretrain
    src = edge_index[0].astype(jnp.int32)
    dst = edge_index[1].astype(jnp.int32)
    rowid = jnp.arange(NP, dtype=jnp.int32)
    hist = _sc_degree(dst, jnp.zeros((NP, 16), jnp.float32))
    h = _tc_matmul(x, W)
    hp = _tc_scale(hist, h)
    acc = _sc_scatter(hp, src, dst, rowid)
    return _tc_final(acc, hp, hist, b.reshape(1, D))

# --- scband reference (transcript-rebuilt; emitter-appended) ---
"""Pipeline reference for scband-graph-encoder-83090437308768 (READ-ONLY COPY).

The authoritative reference and input builder live on the scoring server;
editing this copy changes nothing except your own understanding.
"""

import jax, jax.numpy as jnp
import numpy as np

N_NODES = 10000
N_EDGES = 320000
D = 128

def setup_inputs(seed: int = 0) -> dict:
    key = jax.random.key(seed)
    k1, k2, k3, k4 = jax.random.split(key, 4)
    x = jax.random.normal(k1, (N_NODES, D), dtype=jnp.float32)
    edge_index = jax.random.randint(k2, (2, N_EDGES), 0, N_NODES, dtype=jnp.int64)
    W = jax.random.normal(k3, (D, D), dtype=jnp.float32) * (1.0 / np.sqrt(D))
    b = jnp.zeros((D,), dtype=jnp.float32)
    return {"x": x, "edge_index": edge_index, "W": W, "b": b, "pretrain": 0}

def reference(x, edge_index, W, b, pretrain=0):
    # GraphEncoder with gnn_type='gcn': single GCN layer over (x, edge_index).
    # GCN: out = relu( D^{-1/2} (A + I) D^{-1/2} X W + b ); dropout is identity in eval.
    N = x.shape[0]
    src = edge_index[0]
    dst = edge_index[1]
    loop = jnp.arange(N, dtype=src.dtype)
    src_f = jnp.concatenate([src, loop], axis=0)
    dst_f = jnp.concatenate([dst, loop], axis=0)
    # degree (with self-loops) on destination nodes
    deg = jnp.zeros((N,), dtype=x.dtype).at[dst_f].add(1.0)
    deg_inv_sqrt = jnp.where(deg > 0, 1.0 / jnp.sqrt(deg), 0.0)
    norm = deg_inv_sqrt[src_f] * deg_inv_sqrt[dst_f]
    # transform then gather / scatter-add aggregate
    h = x @ W
    msgs = jnp.take(h, src_f, axis=0) * norm[:, None]
    agg = jnp.zeros((N, h.shape[1]), dtype=x.dtype).at[dst_f].add(msgs)
    out = jax.nn.relu(agg + b)
    return out

if __name__ == "__main__":
    import jax
    _d = setup_inputs()
    print(jax.jit(kernel)(*tuple(_d.values())))

</pallas_src>

<mosaic_0001>
#map = affine_map<(d0, d1) -> (0, 0)>
#map1 = affine_map<(d0, d1) -> (0)>
#map2 = affine_map<(d0, d1) -> (0, 0, 0)>
module attributes {stable_mosaic.version = 14 : i64} {
  func.func @_sc_scatter(%arg0: i32, %arg1: i32, %arg2: memref<10000x128xf32, #tpu.memory_space<hbm>>, %arg3: memref<320000xi32, #tpu.memory_space<hbm>>, %arg4: memref<320000xi32, #tpu.memory_space<hbm>>, %arg5: memref<10112xi32, #tpu.memory_space<hbm>>, %arg6: memref<2x10112x128xf32, #tpu.memory_space<hbm>>, %arg7: memref<128xi32, #tpu.memory_space<vmem>>, %arg8: memref<16xi32, #tpu.memory_space<vmem>>, %arg9: memref<1x128xi32, #tpu.memory_space<vmem>>, %arg10: memref<1x16xi32, #tpu.memory_space<vmem>>, %arg11: memref<4x128xi32, #tpu.memory_space<vmem>>, %arg12: memref<1x120xi32, #tpu.memory_space<vmem>>, %arg13: memref<128x128xf32, #tpu.memory_space<vmem>>, %arg14: memref<10112x128xf32, #tpu.memory_space<vmem_shared>>, %arg15: memref<!tpu.dma_semaphore, #tpu.memory_space<semaphore_mem>>) attributes {dimension_semantics = [#tpu.dimension_semantics<core_parallel>, #tpu.dimension_semantics<subcore_parallel>], iteration_bounds = array<i64: 2, 16>, scalar_prefetch = 0 : i64, scratch_operands = 9 : i64, tpu.core_type = #tpu.core_type<sc_vector_subcore>, window_params = [{transform_indices = #map}, {transform_indices = #map1}, {transform_indices = #map1}, {transform_indices = #map1}, {transform_indices = #map2}]} {
    %mul3A = arith.constant 2 : i32
    %mul3A_0 = arith.muli %arg1, %mul3A : i32
    %add3A = arith.addi %mul3A_0, %arg0 : i32
    %mul3A_1 = arith.constant 632 : i32
    %mul3A_2 = arith.muli %arg1, %mul3A_1 : i32
    %add3A_3 = arith.constant 0 : i32
    %add3A_4 = arith.addi %mul3A_2, %add3A_3 : i32
    %run_scoped3A = arith.constant 0 : i32
    "tpu.region"() ({
      %run_scoped3A_56 = tpu.sem_alloc : memref<!tpu.dma_semaphore, #tpu.memory_space<semaphore_mem>>
      %dma_start3A_57 = arith.constant 0 : i32
      %dma_start3A_58 = tpu.memref_slice %arg11[%run_scoped3A, %dma_start3A_57] : memref<4x128xi32, #tpu.memory_space<vmem>> -> memref<1x128xi32, #tpu.memory_space<vmem>>
      %dma_start3A_59 = tpu.memref_squeeze %dma_start3A_58 : memref<1x128xi32, #tpu.memory_space<vmem>> -> memref<128xi32, #tpu.memory_space<vmem>>
      %dma_start3A_60 = tpu.memref_slice %arg5[%add3A_4] : memref<10112xi32, #tpu.memory_space<hbm>> -> memref<128xi32, #tpu.memory_space<hbm>>
      %dma_start3A_61 = arith.constant 0 : i32
      %dma_start3A_62 = tpu.memref_slice %arg11[%run_scoped3A, %dma_start3A_61] : memref<4x128xi32, #tpu.memory_space<vmem>> -> memref<1x128xi32, #tpu.memory_space<vmem>>
      %dma_start3A_63 = tpu.memref_squeeze %dma_start3A_62 : memref<1x128xi32, #tpu.memory_space<vmem>> -> memref<128xi32, #tpu.memory_space<vmem>>
      %dma_start3A_64 = tpu.memref_slice %arg5[%add3A_4] : memref<10112xi32, #tpu.memory_space<hbm>> -> memref<128xi32, #tpu.memory_space<hbm>>
      tpu.enqueue_dma source(%dma_start3A_64 : memref<128xi32, #tpu.memory_space<hbm>>) target(%dma_start3A_63 : memref<128xi32, #tpu.memory_space<vmem>>) target_semaphore(%run_scoped3A_56 : memref<!tpu.dma_semaphore, #tpu.memory_space<semaphore_mem>>)
      %dma_wait3A_65 = arith.constant 0 : i32
      %dma_wait3A_66 = tpu.memref_slice %arg11[%run_scoped3A, %dma_wait3A_65] : memref<4x128xi32, #tpu.memory_space<vmem>> -> memref<1x128xi32, #tpu.memory_space<vmem>>
      %dma_wait3A_67 = tpu.memref_squeeze %dma_wait3A_66 : memref<1x128xi32, #tpu.memory_space<vmem>> -> memref<128xi32, #tpu.memory_space<vmem>>
      %dma_wait3A_68 = tpu.memref_slice %arg5[%add3A_4] : memref<10112xi32, #tpu.memory_space<hbm>> -> memref<128xi32, #tpu.memory_space<hbm>>
      %dma_wait3A_69 = arith.constant 0 : i32
      %dma_wait3A_70 = tpu.memref_slice %arg11[%run_scoped3A, %dma_wait3A_69] : memref<4x128xi32, #tpu.memory_space<vmem>> -> memref<1x128xi32, #tpu.memory_space<vmem>>
      %dma_wait3A_71 = tpu.memref_squeeze %dma_wait3A_70 : memref<1x128xi32, #tpu.memory_space<vmem>> -> memref<128xi32, #tpu.memory_space<vmem>>
      %dma_wait3A_72 = tpu.memref_slice %arg5[%add3A_4] : memref<10112xi32, #tpu.memory_space<hbm>> -> memref<128xi32, #tpu.memory_space<hbm>>
      tpu.wait_dma2 semaphore(%run_scoped3A_56 : memref<!tpu.dma_semaphore, #tpu.memory_space<semaphore_mem>>) src(%dma_wait3A_72 : memref<128xi32, #tpu.memory_space<hbm>>) dst(%dma_wait3A_71 : memref<128xi32, #tpu.memory_space<vmem>>)
      tpu.yield
    }) : () -> ()
    %mul3A_5 = arith.constant 632 : i32
    %mul3A_6 = arith.muli %arg1, %mul3A_5 : i32
    %add3A_7 = arith.constant 128 : i32
    %add3A_8 = arith.addi %mul3A_6, %add3A_7 : i32
    %run_scoped3A_9 = arith.constant 1 : i32
    "tpu.region"() ({
      %run_scoped3A_56 = tpu.sem_alloc : memref<!tpu.dma_semaphore, #tpu.memory_space<semaphore_mem>>
      %dma_start3A_57 = arith.constant 0 : i32
      %dma_start3A_58 = tpu.memref_slice %arg11[%run_scoped3A_9, %dma_start3A_57] : memref<4x128xi32, #tpu.memory_space<vmem>> -> memref<1x128xi32, #tpu.memory_space<vmem>>
      %dma_start3A_59 = tpu.memref_squeeze %dma_start3A_58 : memref<1x128xi32, #tpu.memory_space<vmem>> -> memref<128xi32, #tpu.memory_space<vmem>>
      %dma_start3A_60 = tpu.memref_slice %arg5[%add3A_8] : memref<10112xi32, #tpu.memory_space<hbm>> -> memref<128xi32, #tpu.memory_space<hbm>>
      %dma_start3A_61 = arith.constant 0 : i32
      %dma_start3A_62 = tpu.memref_slice %arg11[%run_scoped3A_9, %dma_start3A_61] : memref<4x128xi32, #tpu.memory_space<vmem>> -> memref<1x128xi32, #tpu.memory_space<vmem>>
      %dma_start3A_63 = tpu.memref_squeeze %dma_start3A_62 : memref<1x128xi32, #tpu.memory_space<vmem>> -> memref<128xi32, #tpu.memory_space<vmem>>
      %dma_start3A_64 = tpu.memref_slice %arg5[%add3A_8] : memref<10112xi32, #tpu.memory_space<hbm>> -> memref<128xi32, #tpu.memory_space<hbm>>
      tpu.enqueue_dma source(%dma_start3A_64 : memref<128xi32, #tpu.memory_space<hbm>>) target(%dma_start3A_63 : memref<128xi32, #tpu.memory_space<vmem>>) target_semaphore(%run_scoped3A_56 : memref<!tpu.dma_semaphore, #tpu.memory_space<semaphore_mem>>)
      %dma_wait3A_65 = arith.constant 0 : i32
      %dma_wait3A_66 = tpu.memref_slice %arg11[%run_scoped3A_9, %dma_wait3A_65] : memref<4x128xi32, #tpu.memory_space<vmem>> -> memref<1x128xi32, #tpu.memory_space<vmem>>
      %dma_wait3A_67 = tpu.memref_squeeze %dma_wait3A_66 : memref<1x128xi32, #tpu.memory_space<vmem>> -> memref<128xi32, #tpu.memory_space<vmem>>
      %dma_wait3A_68 = tpu.memref_slice %arg5[%add3A_8] : memref<10112xi32, #tpu.memory_space<hbm>> -> memref<128xi32, #tpu.memory_space<hbm>>
      %dma_wait3A_69 = arith.constant 0 : i32
      %dma_wait3A_70 = tpu.memref_slice %arg11[%run_scoped3A_9, %dma_wait3A_69] : memref<4x128xi32, #tpu.memory_space<vmem>> -> memref<1x128xi32, #tpu.memory_space<vmem>>
      %dma_wait3A_71 = tpu.memref_squeeze %dma_wait3A_70 : memref<1x128xi32, #tpu.memory_space<vmem>> -> memref<128xi32, #tpu.memory_space<vmem>>
      %dma_wait3A_72 = tpu.memref_slice %arg5[%add3A_8] : memref<10112xi32, #tpu.memory_space<hbm>> -> memref<128xi32, #tpu.memory_space<hbm>>
      tpu.wait_dma2 semaphore(%run_scoped3A_56 : memref<!tpu.dma_semaphore, #tpu.memory_space<semaphore_mem>>) src(%dma_wait3A_72 : memref<128xi32, #tpu.memory_space<hbm>>) dst(%dma_wait3A_71 : memref<128xi32, #tpu.memory_space<vmem>>)
      tpu.yield
    }) : () -> ()
    %mul3A_10 = arith.constant 632 : i32
    %mul3A_11 = arith.muli %arg1, %mul3A_10 : i32
    %add3A_12 = arith.constant 256 : i32
    %add3A_13 = arith.addi %mul3A_11, %add3A_12 : i32
    %run_scoped3A_14 = arith.constant 2 : i32
    "tpu.region"() ({
      %run_scoped3A_56 = tpu.sem_alloc : memref<!tpu.dma_semaphore, #tpu.memory_space<semaphore_mem>>
      %dma_start3A_57 = arith.constant 0 : i32
      %dma_start3A_58 = tpu.memref_slice %arg11[%run_scoped3A_14, %dma_start3A_57] : memref<4x128xi32, #tpu.memory_space<vmem>> -> memref<1x128xi32, #tpu.memory_space<vmem>>
      %dma_start3A_59 = tpu.memref_squeeze %dma_start3A_58 : memref<1x128xi32, #tpu.memory_space<vmem>> -> memref<128xi32, #tpu.memory_space<vmem>>
      %dma_start3A_60 = tpu.memref_slice %arg5[%add3A_13] : memref<10112xi32, #tpu.memory_space<hbm>> -> memref<128xi32, #tpu.memory_space<hbm>>
      %dma_start3A_61 = arith.constant 0 : i32
      %dma_start3A_62 = tpu.memref_slice %arg11[%run_scoped3A_14, %dma_start3A_61] : memref<4x128xi32, #tpu.memory_space<vmem>> -> memref<1x128xi32, #tpu.memory_space<vmem>>
      %dma_start3A_63 = tpu.memref_squeeze %dma_start3A_62 : memref<1x128xi32, #tpu.memory_space<vmem>> -> memref<128xi32, #tpu.memory_space<vmem>>
      %dma_start3A_64 = tpu.memref_slice %arg5[%add3A_13] : memref<10112xi32, #tpu.memory_space<hbm>> -> memref<128xi32, #tpu.memory_space<hbm>>
      tpu.enqueue_dma source(%dma_start3A_64 : memref<128xi32, #tpu.memory_space<hbm>>) target(%dma_start3A_63 : memref<128xi32, #tpu.memory_space<vmem>>) target_semaphore(%run_scoped3A_56 : memref<!tpu.dma_semaphore, #tpu.memory_space<semaphore_mem>>)
      %dma_wait3A_65 = arith.constant 0 : i32
      %dma_wait3A_66 = tpu.memref_slice %arg11[%run_scoped3A_14, %dma_wait3A_65] : memref<4x128xi32, #tpu.memory_space<vmem>> -> memref<1x128xi32, #tpu.memory_space<vmem>>
      %dma_wait3A_67 = tpu.memref_squeeze %dma_wait3A_66 : memref<1x128xi32, #tpu.memory_space<vmem>> -> memref<128xi32, #tpu.memory_space<vmem>>
      %dma_wait3A_68 = tpu.memref_slice %arg5[%add3A_13] : memref<10112xi32, #tpu.memory_space<hbm>> -> memref<128xi32, #tpu.memory_space<hbm>>
      %dma_wait3A_69 = arith.constant 0 : i32
      %dma_wait3A_70 = tpu.memref_slice %arg11[%run_scoped3A_14, %dma_wait3A_69] : memref<4x128xi32, #tpu.memory_space<vmem>> -> memref<1x128xi32, #tpu.memory_space<vmem>>
      %dma_wait3A_71 = tpu.memref_squeeze %dma_wait3A_70 : memref<1x128xi32, #tpu.memory_space<vmem>> -> memref<128xi32, #tpu.memory_space<vmem>>
      %dma_wait3A_72 = tpu.memref_slice %arg5[%add3A_13] : memref<10112xi32, #tpu.memory_space<hbm>> -> memref<128xi32, #tpu.memory_space<hbm>>
      tpu.wait_dma2 semaphore(%run_scoped3A_56 : memref<!tpu.dma_semaphore, #tpu.memory_space<semaphore_mem>>) src(%dma_wait3A_72 : memref<128xi32, #tpu.memory_space<hbm>>) dst(%dma_wait3A_71 : memref<128xi32, #tpu.memory_space<vmem>>)
      tpu.yield
    }) : () -> ()
    %mul3A_15 = arith.constant 632 : i32
    %mul3A_16 = arith.muli %arg1, %mul3A_15 : i32
    %add3A_17 = arith.constant 384 : i32
    %add3A_18 = arith.addi %mul3A_16, %add3A_17 : i32
    %run_scoped3A_19 = arith.constant 3 : i32
    "tpu.region"() ({
      %run_scoped3A_56 = tpu.sem_alloc : memref<!tpu.dma_semaphore, #tpu.memory_space<semaphore_mem>>
      %dma_start3A_57 = arith.constant 0 : i32
      %dma_start3A_58 = tpu.memref_slice %arg11[%run_scoped3A_19, %dma_start3A_57] : memref<4x128xi32, #tpu.memory_space<vmem>> -> memref<1x128xi32, #tpu.memory_space<vmem>>
      %dma_start3A_59 = tpu.memref_squeeze %dma_start3A_58 : memref<1x128xi32, #tpu.memory_space<vmem>> -> memref<128xi32, #tpu.memory_space<vmem>>
      %dma_start3A_60 = tpu.memref_slice %arg5[%add3A_18] : memref<10112xi32, #tpu.memory_space<hbm>> -> memref<128xi32, #tpu.memory_space<hbm>>
      %dma_start3A_61 = arith.constant 0 : i32
      %dma_start3A_62 = tpu.memref_slice %arg11[%run_scoped3A_19, %dma_start3A_61] : memref<4x128xi32, #tpu.memory_space<vmem>> -> memref<1x128xi32, #tpu.memory_space<vmem>>
      %dma_start3A_63 = tpu.memref_squeeze %dma_start3A_62 : memref<1x128xi32, #tpu.memory_space<vmem>> -> memref<128xi32, #tpu.memory_space<vmem>>
      %dma_start3A_64 = tpu.memref_slice %arg5[%add3A_18] : memref<10112xi32, #tpu.memory_space<hbm>> -> memref<128xi32, #tpu.memory_space<hbm>>
      tpu.enqueue_dma source(%dma_start3A_64 : memref<128xi32, #tpu.memory_space<hbm>>) target(%dma_start3A_63 : memref<128xi32, #tpu.memory_space<vmem>>) target_semaphore(%run_scoped3A_56 : memref<!tpu.dma_semaphore, #tpu.memory_space<semaphore_mem>>)
      %dma_wait3A_65 = arith.constant 0 : i32
      %dma_wait3A_66 = tpu.memref_slice %arg11[%run_scoped3A_19, %dma_wait3A_65] : memref<4x128xi32, #tpu.memory_space<vmem>> -> memref<1x128xi32, #tpu.memory_space<vmem>>
      %dma_wait3A_67 = tpu.memref_squeeze %dma_wait3A_66 : memref<1x128xi32, #tpu.memory_space<vmem>> -> memref<128xi32, #tpu.memory_space<vmem>>
      %dma_wait3A_68 = tpu.memref_slice %arg5[%add3A_18] : memref<10112xi32, #tpu.memory_space<hbm>> -> memref<128xi32, #tpu.memory_space<hbm>>
      %dma_wait3A_69 = arith.constant 0 : i32
      %dma_wait3A_70 = tpu.memref_slice %arg11[%run_scoped3A_19, %dma_wait3A_69] : memref<4x128xi32, #tpu.memory_space<vmem>> -> memref<1x128xi32, #tpu.memory_space<vmem>>
      %dma_wait3A_71 = tpu.memref_squeeze %dma_wait3A_70 : memref<1x128xi32, #tpu.memory_space<vmem>> -> memref<128xi32, #tpu.memory_space<vmem>>
      %dma_wait3A_72 = tpu.memref_slice %arg5[%add3A_18] : memref<10112xi32, #tpu.memory_space<hbm>> -> memref<128xi32, #tpu.memory_space<hbm>>
      tpu.wait_dma2 semaphore(%run_scoped3A_56 : memref<!tpu.dma_semaphore, #tpu.memory_space<semaphore_mem>>) src(%dma_wait3A_72 : memref<128xi32, #tpu.memory_space<hbm>>) dst(%dma_wait3A_71 : memref<128xi32, #tpu.memory_space<vmem>>)
      tpu.yield
    }) : () -> ()
    %mul3A_20 = arith.constant 632 : i32
    %mul3A_21 = arith.muli %arg1, %mul3A_20 : i32
    %add3A_22 = arith.constant 512 : i32
    %add3A_23 = arith.addi %mul3A_21, %add3A_22 : i32
    %run_scoped3A_24 = arith.constant 0 : i32
    "tpu.region"() ({
      %run_scoped3A_56 = tpu.sem_alloc : memref<!tpu.dma_semaphore, #tpu.memory_space<semaphore_mem>>
      %dma_start3A_57 = arith.constant 0 : i32
      %dma_start3A_58 = tpu.memref_slice %arg12[%run_scoped3A_24, %dma_start3A_57] : memref<1x120xi32, #tpu.memory_space<vmem>> -> memref<1x120xi32, #tpu.memory_space<vmem>>
      %dma_start3A_59 = tpu.memref_squeeze %dma_start3A_58 : memref<1x120xi32, #tpu.memory_space<vmem>> -> memref<120xi32, #tpu.memory_space<vmem>>
      %dma_start3A_60 = tpu.memref_slice %arg5[%add3A_23] : memref<10112xi32, #tpu.memory_space<hbm>> -> memref<120xi32, #tpu.memory_space<hbm>>
      %dma_start3A_61 = arith.constant 0 : i32
      %dma_start3A_62 = tpu.memref_slice %arg12[%run_scoped3A_24, %dma_start3A_61] : memref<1x120xi32, #tpu.memory_space<vmem>> -> memref<1x120xi32, #tpu.memory_space<vmem>>
      %dma_start3A_63 = tpu.memref_squeeze %dma_start3A_62 : memref<1x120xi32, #tpu.memory_space<vmem>> -> memref<120xi32, #tpu.memory_space<vmem>>
      %dma_start3A_64 = tpu.memref_slice %arg5[%add3A_23] : memref<10112xi32, #tpu.memory_space<hbm>> -> memref<120xi32, #tpu.memory_space<hbm>>
      tpu.enqueue_dma source(%dma_start3A_64 : memref<120xi32, #tpu.memory_space<hbm>>) target(%dma_start3A_63 : memref<120xi32, #tpu.memory_space<vmem>>) target_semaphore(%run_scoped3A_56 : memref<!tpu.dma_semaphore, #tpu.memory_space<semaphore_mem>>)
      %dma_wait3A_65 = arith.constant 0 : i32
      %dma_wait3A_66 = tpu.memref_slice %arg12[%run_scoped3A_24, %dma_wait3A_65] : memref<1x120xi32, #tpu.memory_space<vmem>> -> memref<1x120xi32, #tpu.memory_space<vmem>>
      %dma_wait3A_67 = tpu.memref_squeeze %dma_wait3A_66 : memref<1x120xi32, #tpu.memory_space<vmem>> -> memref<120xi32, #tpu.memory_space<vmem>>
      %dma_wait3A_68 = tpu.memref_slice %arg5[%add3A_23] : memref<10112xi32, #tpu.memory_space<hbm>> -> memref<120xi32, #tpu.memory_space<hbm>>
      %dma_wait3A_69 = arith.constant 0 : i32
      %dma_wait3A_70 = tpu.memref_slice %arg12[%run_scoped3A_24, %dma_wait3A_69] : memref<1x120xi32, #tpu.memory_space<vmem>> -> memref<1x120xi32, #tpu.memory_space<vmem>>
      %dma_wait3A_71 = tpu.memref_squeeze %dma_wait3A_70 : memref<1x120xi32, #tpu.memory_space<vmem>> -> memref<120xi32, #tpu.memory_space<vmem>>
      %dma_wait3A_72 = tpu.memref_slice %arg5[%add3A_23] : memref<10112xi32, #tpu.memory_space<hbm>> -> memref<120xi32, #tpu.memory_space<hbm>>
      tpu.wait_dma2 semaphore(%run_scoped3A_56 : memref<!tpu.dma_semaphore, #tpu.memory_space<semaphore_mem>>) src(%dma_wait3A_72 : memref<120xi32, #tpu.memory_space<hbm>>) dst(%dma_wait3A_71 : memref<120xi32, #tpu.memory_space<vmem>>)
      tpu.yield
    }) : () -> ()
    %scan3A = arith.constant 0 : i32
    %scan3A_25 = arith.constant 128 : i32
    %scan3A_26 = arith.addi %scan3A, %scan3A_25 : i32
    %scan3A_27 = arith.constant 1 : i32
    scf.for %scan3A_56 = %scan3A to %scan3A_26 step %scan3A_27  : i32 {
      %mul3A_57 = arith.constant 1 : i32
      %mul3A_58 = arith.muli %scan3A_56, %mul3A_57 : i32
      %add3A_59 = arith.constant 0 : i32
      %add3A_60 = arith.addi %add3A_59, %mul3A_58 : i32
      %scan3A_61 = arith.constant 0 : i32
      %scan3A_62 = arith.constant 8 : i32
      %scan3A_63 = arith.addi %scan3A_61, %scan3A_62 : i32
      %scan3A_64 = arith.constant 1 : i32
      scf.for %scan3A_66 = %scan3A_61 to %scan3A_63 step %scan3A_64  : i32 {
        %mul3A_67 = arith.constant 16 : i32
        %mul3A_68 = arith.muli %scan3A_66, %mul3A_67 : i32
        %add3A_69 = arith.constant 0 : i32
        %add3A_70 = arith.addi %add3A_69, %mul3A_68 : i32
        %broadcast_in_dim3A = arith.constant 0.000000e+00 : f32
        %broadcast_in_dim3A_71 = vector.broadcast %broadcast_in_dim3A : f32 to vector<16xf32>
        %swap3A = arith.index_cast %add3A_60 : i32 to index
        %swap3A_72 = arith.index_cast %add3A_70 : i32 to index
        %swap3A_73 = tpu.vector_load %arg13[%swap3A, %swap3A_72] {strides = array<i32>} : memref<128x128xf32, #tpu.memory_space<vmem>>, vector<1x16xf32>,
        %swap3A_74 = vector.shape_cast %swap3A_73 : vector<1x16xf32> to vector<16xf32>
        %swap3A_75 = vector.shape_cast %broadcast_in_dim3A_71 : vector<16xf32> to vector<1x16xf32>
        tpu.vector_store %arg13[%swap3A, %swap3A_72], %swap3A_75 {strides = array<i32>} : memref<128x128xf32, #tpu.memory_space<vmem>>, vector<1x16xf32>,
      }
      %scan3A_65 = arith.constant 8 : i32
    }
    %scan3A_28 = arith.constant 128 : i32
    %run_scoped3A_29 = arith.constant 0 : i32
    "tpu.region"() ({
      %run_scoped3A_56 = tpu.sem_alloc : memref<!tpu.dma_semaphore, #tpu.memory_space<semaphore_mem>>
      %dma_start3A_57 = arith.constant 0 : i32
      %dma_start3A_58 = tpu.memref_slice %arg11[%run_scoped3A_29, %dma_start3A_57] : memref<4x128xi32, #tpu.memory_space<vmem>> -> memref<1x128xi32, #tpu.memory_space<vmem>>
      %dma_start3A_59 = tpu.memref_squeeze %dma_start3A_58 : memref<1x128xi32, #tpu.memory_space<vmem>> -> memref<128xi32, #tpu.memory_space<vmem>>
      %dma_start3A_60 = arith.constant 0 : i32
      %dma_start3A_61 = arith.constant 0 : i32
      %dma_start3A_62 = tpu.memref_slice %arg14[%dma_start3A_60, %dma_start3A_61] : memref<10112x128xf32, #tpu.memory_space<vmem_shared>> -> memref<10112x128xf32, #tpu.memory_space<vmem_shared>>
      tpu.enqueue_indirect_dma source(%arg13 : memref<128x128xf32, #tpu.memory_space<vmem>>) target(%dma_start3A_62 : memref<10112x128xf32, #tpu.memory_space<vmem_shared>>) offsets(%dma_start3A_59 : memref<128xi32, #tpu.memory_space<vmem>>) semaphore(%run_scoped3A_56 : memref<!tpu.dma_semaphore, #tpu.memory_space<semaphore_mem>>)
      %dma_wait3A_63 = arith.constant 0 : i32
      %dma_wait3A_64 = tpu.memref_slice %arg11[%run_scoped3A_29, %dma_wait3A_63] : memref<4x128xi32, #tpu.memory_space<vmem>> -> memref<1x128xi32, #tpu.memory_space<vmem>>
      %dma_wait3A_65 = tpu.memref_squeeze %dma_wait3A_64 : memref<1x128xi32, #tpu.memory_space<vmem>> -> memref<128xi32, #tpu.memory_space<vmem>>
      %dma_wait3A_66 = arith.constant 0 : i32
      %dma_wait3A_67 = arith.constant 0 : i32
      %dma_wait3A_68 = tpu.memref_slice %arg14[%dma_wait3A_66, %dma_wait3A_67] : memref<10112x128xf32, #tpu.memory_space<vmem_shared>> -> memref<10112x128xf32, #tpu.memory_space<vmem_shared>>
      tpu.wait_indirect_dma semaphore(%run_scoped3A_56 : memref<!tpu.dma_semaphore, #tpu.memory_space<semaphore_mem>>) src(%arg13 : memref<128x128xf32, #tpu.memory_space<vmem>>) dst(%dma_wait3A_68 : memref<10112x128xf32, #tpu.memory_space<vmem_shared>>)
      tpu.yield
    }) : () -> ()
    %run_scoped3A_30 = arith.constant 1 : i32
    "tpu.region"() ({
      %run_scoped3A_56 = tpu.sem_alloc : memref<!tpu.dma_semaphore, #tpu.memory_space<semaphore_mem>>
      %dma_start3A_57 = arith.constant 0 : i32
      %dma_start3A_58 = tpu.memref_slice %arg11[%run_scoped3A_30, %dma_start3A_57] : memref<4x128xi32, #tpu.memory_space<vmem>> -> memref<1x128xi32, #tpu.memory_space<vmem>>
      %dma_start3A_59 = tpu.memref_squeeze %dma_start3A_58 : memref<1x128xi32, #tpu.memory_space<vmem>> -> memref<128xi32, #tpu.memory_space<vmem>>
      %dma_start3A_60 = arith.constant 0 : i32
      %dma_start3A_61 = arith.constant 0 : i32
      %dma_start3A_62 = tpu.memref_slice %arg14[%dma_start3A_60, %dma_start3A_61] : memref<10112x128xf32, #tpu.memory_space<vmem_shared>> -> memref<10112x128xf32, #tpu.memory_space<vmem_shared>>
      tpu.enqueue_indirect_dma source(%arg13 : memref<128x128xf32, #tpu.memory_space<vmem>>) target(%dma_start3A_62 : memref<10112x128xf32, #tpu.memory_space<vmem_shared>>) offsets(%dma_start3A_59 : memref<128xi32, #tpu.memory_space<vmem>>) semaphore(%run_scoped3A_56 : memref<!tpu.dma_semaphore, #tpu.memory_space<semaphore_mem>>)
      %dma_wait3A_63 = arith.constant 0 : i32
      %dma_wait3A_64 = tpu.memref_slice %arg11[%run_scoped3A_30, %dma_wait3A_63] : memref<4x128xi32, #tpu.memory_space<vmem>> -> memref<1x128xi32, #tpu.memory_space<vmem>>
      %dma_wait3A_65 = tpu.memref_squeeze %dma_wait3A_64 : memref<1x128xi32, #tpu.memory_space<vmem>> -> memref<128xi32, #tpu.memory_space<vmem>>
      %dma_wait3A_66 = arith.constant 0 : i32
      %dma_wait3A_67 = arith.constant 0 : i32
      %dma_wait3A_68 = tpu.memref_slice %arg14[%dma_wait3A_66, %dma_wait3A_67] : memref<10112x128xf32, #tpu.memory_space<vmem_shared>> -> memref<10112x128xf32, #tpu.memory_space<vmem_shared>>
      tpu.wait_indirect_dma semaphore(%run_scoped3A_56 : memref<!tpu.dma_semaphore, #tpu.memory_space<semaphore_mem>>) src(%arg13 : memref<128x128xf32, #tpu.memory_space<vmem>>) dst(%dma_wait3A_68 : memref<10112x128xf32, #tpu.memory_space<vmem_shared>>)
      tpu.yield
    }) : () -> ()
    %run_scoped3A_31 = arith.constant 2 : i32
    "tpu.region"() ({
      %run_scoped3A_56 = tpu.sem_alloc : memref<!tpu.dma_semaphore, #tpu.memory_space<semaphore_mem>>
      %dma_start3A_57 = arith.constant 0 : i32
      %dma_start3A_58 = tpu.memref_slice %arg11[%run_scoped3A_31, %dma_start3A_57] : memref<4x128xi32, #tpu.memory_space<vmem>> -> memref<1x128xi32, #tpu.memory_space<vmem>>
      %dma_start3A_59 = tpu.memref_squeeze %dma_start3A_58 : memref<1x128xi32, #tpu.memory_space<vmem>> -> memref<128xi32, #tpu.memory_space<vmem>>
      %dma_start3A_60 = arith.constant 0 : i32
      %dma_start3A_61 = arith.constant 0 : i32
      %dma_start3A_62 = tpu.memref_slice %arg14[%dma_start3A_60, %dma_start3A_61] : memref<10112x128xf32, #tpu.memory_space<vmem_shared>> -> memref<10112x128xf32, #tpu.memory_space<vmem_shared>>
      tpu.enqueue_indirect_dma source(%arg13 : memref<128x128xf32, #tpu.memory_space<vmem>>) target(%dma_start3A_62 : memref<10112x128xf32, #tpu.memory_space<vmem_shared>>) offsets(%dma_start3A_59 : memref<128xi32, #tpu.memory_space<vmem>>) semaphore(%run_scoped3A_56 : memref<!tpu.dma_semaphore, #tpu.memory_space<semaphore_mem>>)
      %dma_wait3A_63 = arith.constant 0 : i32
      %dma_wait3A_64 = tpu.memref_slice %arg11[%run_scoped3A_31, %dma_wait3A_63] : memref<4x128xi32, #tpu.memory_space<vmem>> -> memref<1x128xi32, #tpu.memory_space<vmem>>
      %dma_wait3A_65 = tpu.memref_squeeze %dma_wait3A_64 : memref<1x128xi32, #tpu.memory_space<vmem>> -> memref<128xi32, #tpu.memory_space<vmem>>
      %dma_wait3A_66 = arith.constant 0 : i32
      %dma_wait3A_67 = arith.constant 0 : i32
      %dma_wait3A_68 = tpu.memref_slice %arg14[%dma_wait3A_66, %dma_wait3A_67] : memref<10112x128xf32, #tpu.memory_space<vmem_shared>> -> memref<10112x128xf32, #tpu.memory_space<vmem_shared>>
      tpu.wait_indirect_dma semaphore(%run_scoped3A_56 : memref<!tpu.dma_semaphore, #tpu.memory_space<semaphore_mem>>) src(%arg13 : memref<128x128xf32, #tpu.memory_space<vmem>>) dst(%dma_wait3A_68 : memref<10112x128xf32, #tpu.memory_space<vmem_shared>>)
      tpu.yield
    }) : () -> ()
    %run_scoped3A_32 = arith.constant 3 : i32
    "tpu.region"() ({
      %run_scoped3A_56 = tpu.sem_alloc : memref<!tpu.dma_semaphore, #tpu.memory_space<semaphore_mem>>
      %dma_start3A_57 = arith.constant 0 : i32
      %dma_start3A_58 = tpu.memref_slice %arg11[%run_scoped3A_32, %dma_start3A_57] : memref<4x128xi32, #tpu.memory_space<vmem>> -> memref<1x128xi32, #tpu.memory_space<vmem>>
      %dma_start3A_59 = tpu.memref_squeeze %dma_start3A_58 : memref<1x128xi32, #tpu.memory_space<vmem>> -> memref<128xi32, #tpu.memory_space<vmem>>
      %dma_start3A_60 = arith.constant 0 : i32
      %dma_start3A_61 = arith.constant 0 : i32
      %dma_start3A_62 = tpu.memref_slice %arg14[%dma_start3A_60, %dma_start3A_61] : memref<10112x128xf32, #tpu.memory_space<vmem_shared>> -> memref<10112x128xf32, #tpu.memory_space<vmem_shared>>
      tpu.enqueue_indirect_dma source(%arg13 : memref<128x128xf32, #tpu.memory_space<vmem>>) target(%dma_start3A_62 : memref<10112x128xf32, #tpu.memory_space<vmem_shared>>) offsets(%dma_start3A_59 : memref<128xi32, #tpu.memory_space<vmem>>) semaphore(%run_scoped3A_56 : memref<!tpu.dma_semaphore, #tpu.memory_space<semaphore_mem>>)
      %dma_wait3A_63 = arith.constant 0 : i32
      %dma_wait3A_64 = tpu.memref_slice %arg11[%run_scoped3A_32, %dma_wait3A_63] : memref<4x128xi32, #tpu.memory_space<vmem>> -> memref<1x128xi32, #tpu.memory_space<vmem>>
      %dma_wait3A_65 = tpu.memref_squeeze %dma_wait3A_64 : memref<1x128xi32, #tpu.memory_space<vmem>> -> memref<128xi32, #tpu.memory_space<vmem>>
      %dma_wait3A_66 = arith.constant 0 : i32
      %dma_wait3A_67 = arith.constant 0 : i32
      %dma_wait3A_68 = tpu.memref_slice %arg14[%dma_wait3A_66, %dma_wait3A_67] : memref<10112x128xf32, #tpu.memory_space<vmem_shared>> -> memref<10112x128xf32, #tpu.memory_space<vmem_shared>>
      tpu.wait_indirect_dma semaphore(%run_scoped3A_56 : memref<!tpu.dma_semaphore, #tpu.memory_space<semaphore_mem>>) src(%arg13 : memref<128x128xf32, #tpu.memory_space<vmem>>) dst(%dma_wait3A_68 : memref<10112x128xf32, #tpu.memory_space<vmem_shared>>)
      tpu.yield
    }) : () -> ()
    %run_scoped3A_33 = arith.constant 0 : i32
    "tpu.region"() ({
      %run_scoped3A_56 = tpu.sem_alloc : memref<!tpu.dma_semaphore, #tpu.memory_space<semaphore_mem>>
      %dma_start3A_57 = arith.constant 0 : i32
      %dma_start3A_58 = arith.constant 0 : i32
      %dma_start3A_59 = tpu.memref_slice %arg13[%dma_start3A_57, %dma_start3A_58] : memref<128x128xf32, #tpu.memory_space<vmem>> -> memref<120x128xf32, #tpu.memory_space<vmem>>
      %dma_start3A_60 = arith.constant 0 : i32
      %dma_start3A_61 = tpu.memref_slice %arg12[%run_scoped3A_33, %dma_start3A_60] : memref<1x120xi32, #tpu.memory_space<vmem>> -> memref<1x120xi32, #tpu.memory_space<vmem>>
      %dma_start3A_62 = tpu.memref_squeeze %dma_start3A_61 : memref<1x120xi32, #tpu.memory_space<vmem>> -> memref<120xi32, #tpu.memory_space<vmem>>
      %dma_start3A_63 = arith.constant 0 : i32
      %dma_start3A_64 = arith.constant 0 : i32
      %dma_start3A_65 = tpu.memref_slice %arg14[%dma_start3A_63, %dma_start3A_64] : memref<10112x128xf32, #tpu.memory_space<vmem_shared>> -> memref<10112x128xf32, #tpu.memory_space<vmem_shared>>
      tpu.enqueue_indirect_dma source(%dma_start3A_59 : memref<120x128xf32, #tpu.memory_space<vmem>>) target(%dma_start3A_65 : memref<10112x128xf32, #tpu.memory_space<vmem_shared>>) offsets(%dma_start3A_62 : memref<120xi32, #tpu.memory_space<vmem>>) semaphore(%run_scoped3A_56 : memref<!tpu.dma_semaphore, #tpu.memory_space<semaphore_mem>>)
      %dma_wait3A_66 = arith.constant 0 : i32
      %dma_wait3A_67 = arith.constant 0 : i32
      %dma_wait3A_68 = tpu.memref_slice %arg13[%dma_wait3A_66, %dma_wait3A_67] : memref<128x128xf32, #tpu.memory_space<vmem>> -> memref<120x128xf32, #tpu.memory_space<vmem>>
      %dma_wait3A_69 = arith.constant 0 : i32
      %dma_wait3A_70 = tpu.memref_slice %arg12[%run_scoped3A_33, %dma_wait3A_69] : memref<1x120xi32, #tpu.memory_space<vmem>> -> memref<1x120xi32, #tpu.memory_space<vmem>>
      %dma_wait3A_71 = tpu.memref_squeeze %dma_wait3A_70 : memref<1x120xi32, #tpu.memory_space<vmem>> -> memref<120xi32, #tpu.memory_space<vmem>>
      %dma_wait3A_72 = arith.constant 0 : i32
      %dma_wait3A_73 = arith.constant 0 : i32
      %dma_wait3A_74 = tpu.memref_slice %arg14[%dma_wait3A_72, %dma_wait3A_73] : memref<10112x128xf32, #tpu.memory_space<vmem_shared>> -> memref<10112x128xf32, #tpu.memory_space<vmem_shared>>
      tpu.wait_indirect_dma semaphore(%run_scoped3A_56 : memref<!tpu.dma_semaphore, #tpu.memory_space<semaphore_mem>>) src(%dma_wait3A_68 : memref<120x128xf32, #tpu.memory_space<vmem>>) dst(%dma_wait3A_74 : memref<10112x128xf32, #tpu.memory_space<vmem_shared>>)
      tpu.yield
    }) : () -> ()
    %barrier3A = arith.constant 0 : index
    tpu.barrier barrier_id(%barrier3A)
    %scan3A_34 = arith.constant 0 : i32
    %scan3A_35 = arith.constant 78 : i32
    %scan3A_36 = arith.addi %scan3A_34, %scan3A_35 : i32
    %scan3A_37 = arith.constant 1 : i32
    scf.for %scan3A_56 = %scan3A_34 to %scan3A_36 step %scan3A_37  : i32 {
      %mul3A_57 = arith.constant 1 : i32
      %mul3A_58 = arith.muli %scan3A_56, %mul3A_57 : i32
      %add3A_59 = arith.constant 0 : i32
      %add3A_60 = arith.addi %add3A_59, %mul3A_58 : i32
      %mul3A_61 = arith.constant 10000 : i32
      %mul3A_62 = arith.muli %add3A, %mul3A_61 : i32
      %mul3A_63 = arith.constant 128 : i32
      %mul3A_64 = arith.muli %add3A_60, %mul3A_63 : i32
      %add3A_65 = arith.addi %mul3A_62, %mul3A_64 : i32
      "tpu.region"() ({
        %run_scoped3A_74 = tpu.sem_alloc : memref<!tpu.dma_semaphore, #tpu.memory_space<semaphore_mem>>
        %dma_start3A_75 = tpu.memref_slice %arg3[%add3A_65] : memref<320000xi32, #tpu.memory_space<hbm>> -> memref<128xi32, #tpu.memory_space<hbm>>
        %dma_start3A_76 = tpu.memref_slice %arg3[%add3A_65] : memref<320000xi32, #tpu.memory_space<hbm>> -> memref<128xi32, #tpu.memory_space<hbm>>
        tpu.enqueue_dma source(%dma_start3A_76 : memref<128xi32, #tpu.memory_space<hbm>>) target(%arg7 : memref<128xi32, #tpu.memory_space<vmem>>) target_semaphore(%run_scoped3A_74 : memref<!tpu.dma_semaphore, #tpu.memory_space<semaphore_mem>>)
        %dma_wait3A_77 = tpu.memref_slice %arg3[%add3A_65] : memref<320000xi32, #tpu.memory_space<hbm>> -> memref<128xi32, #tpu.memory_space<hbm>>
        %dma_wait3A_78 = tpu.memref_slice %arg3[%add3A_65] : memref<320000xi32, #tpu.memory_space<hbm>> -> memref<128xi32, #tpu.memory_space<hbm>>
        tpu.wait_dma2 semaphore(%run_scoped3A_74 : memref<!tpu.dma_semaphore, #tpu.memory_space<semaphore_mem>>) src(%dma_wait3A_78 : memref<128xi32, #tpu.memory_space<hbm>>) dst(%arg7 : memref<128xi32, #tpu.memory_space<vmem>>)
        tpu.yield
      }) : () -> ()
      %run_scoped3A_66 = arith.constant 0 : i32
      "tpu.region"() ({
        %run_scoped3A_74 = tpu.sem_alloc : memref<!tpu.dma_semaphore, #tpu.memory_space<semaphore_mem>>
        %dma_start3A_75 = arith.constant 0 : i32
        %dma_start3A_76 = tpu.memref_slice %arg9[%run_scoped3A_66, %dma_start3A_75] : memref<1x128xi32, #tpu.memory_space<vmem>> -> memref<1x128xi32, #tpu.memory_space<vmem>>
        %dma_start3A_77 = tpu.memref_squeeze %dma_start3A_76 : memref<1x128xi32, #tpu.memory_space<vmem>> -> memref<128xi32, #tpu.memory_space<vmem>>
        %dma_start3A_78 = tpu.memref_slice %arg4[%add3A_65] : memref<320000xi32, #tpu.memory_space<hbm>> -> memref<128xi32, #tpu.memory_space<hbm>>
        %dma_start3A_79 = arith.constant 0 : i32
        %dma_start3A_80 = tpu.memref_slice %arg9[%run_scoped3A_66, %dma_start3A_79] : memref<1x128xi32, #tpu.memory_space<vmem>> -> memref<1x128xi32, #tpu.memory_space<vmem>>
        %dma_start3A_81 = tpu.memref_squeeze %dma_start3A_80 : memref<1x128xi32, #tpu.memory_space<vmem>> -> memref<128xi32, #tpu.memory_space<vmem>>
        %dma_start3A_82 = tpu.memref_slice %arg4[%add3A_65] : memref<320000xi32, #tpu.memory_space<hbm>> -> memref<128xi32, #tpu.memory_space<hbm>>
        tpu.enqueue_dma source(%dma_start3A_82 : memref<128xi32, #tpu.memory_space<hbm>>) target(%dma_start3A_81 : memref<128xi32, #tpu.memory_space<vmem>>) target_semaphore(%run_scoped3A_74 : memref<!tpu.dma_semaphore, #tpu.memory_space<semaphore_mem>>)
        %dma_wait3A_83 = arith.constant 0 : i32
        %dma_wait3A_84 = tpu.memref_slice %arg9[%run_scoped3A_66, %dma_wait3A_83] : memref<1x128xi32, #tpu.memory_space<vmem>> -> memref<1x128xi32, #tpu.memory_space<vmem>>
        %dma_wait3A_85 = tpu.memref_squeeze %dma_wait3A_84 : memref<1x128xi32, #tpu.memory_space<vmem>> -> memref<128xi32, #tpu.memory_space<vmem>>
        %dma_wait3A_86 = tpu.memref_slice %arg4[%add3A_65] : memref<320000xi32, #tpu.memory_space<hbm>> -> memref<128xi32, #tpu.memory_space<hbm>>
        %dma_wait3A_87 = arith.constant 0 : i32
        %dma_wait3A_88 = tpu.memref_slice %arg9[%run_scoped3A_66, %dma_wait3A_87] : memref<1x128xi32, #tpu.memory_space<vmem>> -> memref<1x128xi32, #tpu.memory_space<vmem>>
        %dma_wait3A_89 = tpu.memref_squeeze %dma_wait3A_88 : memref<1x128xi32, #tpu.memory_space<vmem>> -> memref<128xi32, #tpu.memory_space<vmem>>
        %dma_wait3A_90 = tpu.memref_slice %arg4[%add3A_65] : memref<320000xi32, #tpu.memory_space<hbm>> -> memref<128xi32, #tpu.memory_space<hbm>>
        tpu.wait_dma2 semaphore(%run_scoped3A_74 : memref<!tpu.dma_semaphore, #tpu.memory_space<semaphore_mem>>) src(%dma_wait3A_90 : memref<128xi32, #tpu.memory_space<hbm>>) dst(%dma_wait3A_89 : memref<128xi32, #tpu.memory_space<vmem>>)
        tpu.yield
      }) : () -> ()
      %dma_start3A_67 = arith.constant 0 : i32
      %dma_start3A_68 = arith.constant 0 : i32
      %dma_start3A_69 = tpu.memref_slice %arg2[%dma_start3A_67, %dma_start3A_68] : memref<10000x128xf32, #tpu.memory_space<hbm>> -> memref<10000x128xf32, #tpu.memory_space<hbm>>
      tpu.enqueue_indirect_dma source(%dma_start3A_69 : memref<10000x128xf32, #tpu.memory_space<hbm>>) target(%arg13 : memref<128x128xf32, #tpu.memory_space<vmem>>) offsets(%arg7 : memref<128xi32, #tpu.memory_space<vmem>>) semaphore(%arg15 : memref<!tpu.dma_semaphore, #tpu.memory_space<semaphore_mem>>)
      %dma_wait3A_70 = arith.constant 0 : i32
      %dma_wait3A_71 = arith.constant 0 : i32
      %dma_wait3A_72 = tpu.memref_slice %arg2[%dma_wait3A_70, %dma_wait3A_71] : memref<10000x128xf32, #tpu.memory_space<hbm>> -> memref<10000x128xf32, #tpu.memory_space<hbm>>
      tpu.wait_indirect_dma semaphore(%arg15 : memref<!tpu.dma_semaphore, #tpu.memory_space<semaphore_mem>>) src(%dma_wait3A_72 : memref<10000x128xf32, #tpu.memory_space<hbm>>) dst(%arg13 : memref<128x128xf32, #tpu.memory_space<vmem>>)
      %run_scoped3A_73 = arith.constant 0 : i32
      "tpu.region"() ({
        %run_scoped3A_74 = tpu.sem_alloc : memref<!tpu.dma_semaphore, #tpu.memory_space<semaphore_mem>>
        %dma_start3A_75 = arith.constant 0 : i32
        %dma_start3A_76 = tpu.memref_slice %arg9[%run_scoped3A_73, %dma_start3A_75] : memref<1x128xi32, #tpu.memory_space<vmem>> -> memref<1x128xi32, #tpu.memory_space<vmem>>
        %dma_start3A_77 = tpu.memref_squeeze %dma_start3A_76 : memref<1x128xi32, #tpu.memory_space<vmem>> -> memref<128xi32, #tpu.memory_space<vmem>>
        %dma_start3A_78 = arith.constant 0 : i32
        %dma_start3A_79 = arith.constant 0 : i32
        %dma_start3A_80 = tpu.memref_slice %arg14[%dma_start3A_78, %dma_start3A_79] : memref<10112x128xf32, #tpu.memory_space<vmem_shared>> -> memref<10112x128xf32, #tpu.memory_space<vmem_shared>>
        tpu.enqueue_indirect_dma source(%arg13 : memref<128x128xf32, #tpu.memory_space<vmem>>) target(%dma_start3A_80 : memref<10112x128xf32, #tpu.memory_space<vmem_shared>>) offsets(%dma_start3A_77 : memref<128xi32, #tpu.memory_space<vmem>>) semaphore(%run_scoped3A_74 : memref<!tpu.dma_semaphore, #tpu.memory_space<semaphore_mem>>) {add = true}
        %dma_wait3A_81 = arith.constant 0 : i32
        %dma_wait3A_82 = tpu.memref_slice %arg9[%run_scoped3A_73, %dma_wait3A_81] : memref<1x128xi32, #tpu.memory_space<vmem>> -> memref<1x128xi32, #tpu.memory_space<vmem>>
        %dma_wait3A_83 = tpu.memref_squeeze %dma_wait3A_82 : memref<1x128xi32, #tpu.memory_space<vmem>> -> memref<128xi32, #tpu.memory_space<vmem>>
        %dma_wait3A_84 = arith.constant 0 : i32
        %dma_wait3A_85 = arith.constant 0 : i32
        %dma_wait3A_86 = tpu.memref_slice %arg14[%dma_wait3A_84, %dma_wait3A_85] : memref<10112x128xf32, #tpu.memory_space<vmem_shared>> -> memref<10112x128xf32, #tpu.memory_space<vmem_shared>>
        tpu.wait_indirect_dma semaphore(%run_scoped3A_74 : memref<!tpu.dma_semaphore, #tpu.memory_space<semaphore_mem>>) src(%arg13 : memref<128x128xf32, #tpu.memory_space<vmem>>) dst(%dma_wait3A_86 : memref<10112x128xf32, #tpu.memory_space<vmem_shared>>)
        tpu.yield
      }) : () -> ()
    }
    %scan3A_38 = arith.constant 78 : i32
    %mul3A_39 = arith.constant 10000 : i32
    %mul3A_40 = arith.muli %add3A, %mul3A_39 : i32
    %add3A_41 = arith.constant 9984 : i32
    %add3A_42 = arith.addi %mul3A_40, %add3A_41 : i32
    "tpu.region"() ({
      %run_scoped3A_56 = tpu.sem_alloc : memref<!tpu.dma_semaphore, #tpu.memory_space<semaphore_mem>>
      %dma_start3A_57 = tpu.memref_slice %arg3[%add3A_42] : memref<320000xi32, #tpu.memory_space<hbm>> -> memref<16xi32, #tpu.memory_space<hbm>>
      %dma_start3A_58 = tpu.memref_slice %arg3[%add3A_42] : memref<320000xi32, #tpu.memory_space<hbm>> -> memref<16xi32, #tpu.memory_space<hbm>>
      tpu.enqueue_dma source(%dma_start3A_58 : memref<16xi32, #tpu.memory_space<hbm>>) target(%arg8 : memref<16xi32, #tpu.memory_space<vmem>>) target_semaphore(%run_scoped3A_56 : memref<!tpu.dma_semaphore, #tpu.memory_space<semaphore_mem>>)
      %dma_wait3A_59 = tpu.memref_slice %arg3[%add3A_42] : memref<320000xi32, #tpu.memory_space<hbm>> -> memref<16xi32, #tpu.memory_space<hbm>>
      %dma_wait3A_60 = tpu.memref_slice %arg3[%add3A_42] : memref<320000xi32, #tpu.memory_space<hbm>> -> memref<16xi32, #tpu.memory_space<hbm>>
      tpu.wait_dma2 semaphore(%run_scoped3A_56 : memref<!tpu.dma_semaphore, #tpu.memory_space<semaphore_mem>>) src(%dma_wait3A_60 : memref<16xi32, #tpu.memory_space<hbm>>) dst(%arg8 : memref<16xi32, #tpu.memory_space<vmem>>)
      tpu.yield
    }) : () -> ()
    %run_scoped3A_43 = arith.constant 0 : i32
    "tpu.region"() ({
      %run_scoped3A_56 = tpu.sem_alloc : memref<!tpu.dma_semaphore, #tpu.memory_space<semaphore_mem>>
      %dma_start3A_57 = arith.constant 0 : i32
      %dma_start3A_58 = tpu.memref_slice %arg10[%run_scoped3A_43, %dma_start3A_57] : memref<1x16xi32, #tpu.memory_space<vmem>> -> memref<1x16xi32, #tpu.memory_space<vmem>>
      %dma_start3A_59 = tpu.memref_squeeze %dma_start3A_58 : memref<1x16xi32, #tpu.memory_space<vmem>> -> memref<16xi32, #tpu.memory_space<vmem>>
      %dma_start3A_60 = tpu.memref_slice %arg4[%add3A_42] : memref<320000xi32, #tpu.memory_space<hbm>> -> memref<16xi32, #tpu.memory_space<hbm>>
      %dma_start3A_61 = arith.constant 0 : i32
      %dma_start3A_62 = tpu.memref_slice %arg10[%run_scoped3A_43, %dma_start3A_61] : memref<1x16xi32, #tpu.memory_space<vmem>> -> memref<1x16xi32, #tpu.memory_space<vmem>>
      %dma_start3A_63 = tpu.memref_squeeze %dma_start3A_62 : memref<1x16xi32, #tpu.memory_space<vmem>> -> memref<16xi32, #tpu.memory_space<vmem>>
      %dma_start3A_64 = tpu.memref_slice %arg4[%add3A_42] : memref<320000xi32, #tpu.memory_space<hbm>> -> memref<16xi32, #tpu.memory_space<hbm>>
      tpu.enqueue_dma source(%dma_start3A_64 : memref<16xi32, #tpu.memory_space<hbm>>) target(%dma_start3A_63 : memref<16xi32, #tpu.memory_space<vmem>>) target_semaphore(%run_scoped3A_56 : memref<!tpu.dma_semaphore, #tpu.memory_space<semaphore_mem>>)
      %dma_wait3A_65 = arith.constant 0 : i32
      %dma_wait3A_66 = tpu.memref_slice %arg10[%run_scoped3A_43, %dma_wait3A_65] : memref<1x16xi32, #tpu.memory_space<vmem>> -> memref<1x16xi32, #tpu.memory_space<vmem>>
      %dma_wait3A_67 = tpu.memref_squeeze %dma_wait3A_66 : memref<1x16xi32, #tpu.memory_space<vmem>> -> memref<16xi32, #tpu.memory_space<vmem>>
      %dma_wait3A_68 = tpu.memref_slice %arg4[%add3A_42] : memref<320000xi32, #tpu.memory_space<hbm>> -> memref<16xi32, #tpu.memory_space<hbm>>
      %dma_wait3A_69 = arith.constant 0 : i32
      %dma_wait3A_70 = tpu.memref_slice %arg10[%run_scoped3A_43, %dma_wait3A_69] : memref<1x16xi32, #tpu.memory_space<vmem>> -> memref<1x16xi32, #tpu.memory_space<vmem>>
      %dma_wait3A_71 = tpu.memref_squeeze %dma_wait3A_70 : memref<1x16xi32, #tpu.memory_space<vmem>> -> memref<16xi32, #tpu.memory_space<vmem>>
      %dma_wait3A_72 = tpu.memref_slice %arg4[%add3A_42] : memref<320000xi32, #tpu.memory_space<hbm>> -> memref<16xi32, #tpu.memory_space<hbm>>
      tpu.wait_dma2 semaphore(%run_scoped3A_56 : memref<!tpu.dma_semaphore, #tpu.memory_space<semaphore_mem>>) src(%dma_wait3A_72 : memref<16xi32, #tpu.memory_space<hbm>>) dst(%dma_wait3A_71 : memref<16xi32, #tpu.memory_space<vmem>>)
      tpu.yield
    }) : () -> ()
    %dma_start3A = arith.constant 0 : i32
    %dma_start3A_44 = arith.constant 0 : i32
    %dma_start3A_45 = tpu.memref_slice %arg13[%dma_start3A, %dma_start3A_44] : memref<128x128xf32, #tpu.memory_space<vmem>> -> memref<16x128xf32, #tpu.memory_space<vmem>>
    %dma_start3A_46 = arith.constant 0 : i32
    %dma_start3A_47 = arith.constant 0 : i32
    %dma_start3A_48 = tpu.memref_slice %arg2[%dma_start3A_46, %dma_start3A_47] : memref<10000x128xf32, #tpu.memory_space<hbm>> -> memref<10000x128xf32, #tpu.memory_space<hbm>>
    tpu.enqueue_indirect_dma source(%dma_start3A_48 : memref<10000x128xf32, #tpu.memory_space<hbm>>) target(%dma_start3A_45 : memref<16x128xf32, #tpu.memory_space<vmem>>) offsets(%arg8 : memref<16xi32, #tpu.memory_space<vmem>>) semaphore(%arg15 : memref<!tpu.dma_semaphore, #tpu.memory_space<semaphore_mem>>)
    %dma_wait3A = arith.constant 0 : i32
    %dma_wait3A_49 = arith.constant 0 : i32
    %dma_wait3A_50 = tpu.memref_slice %arg13[%dma_wait3A, %dma_wait3A_49] : memref<128x128xf32, #tpu.memory_space<vmem>> -> memref<16x128xf32, #tpu.memory_space<vmem>>
    %dma_wait3A_51 = arith.constant 0 : i32
    %dma_wait3A_52 = arith.constant 0 : i32
    %dma_wait3A_53 = tpu.memref_slice %arg2[%dma_wait3A_51, %dma_wait3A_52] : memref<10000x128xf32, #tpu.memory_space<hbm>> -> memref<10000x128xf32, #tpu.memory_space<hbm>>
    tpu.wait_indirect_dma semaphore(%arg15 : memref<!tpu.dma_semaphore, #tpu.memory_space<semaphore_mem>>) src(%dma_wait3A_53 : memref<10000x128xf32, #tpu.memory_space<hbm>>) dst(%dma_wait3A_50 : memref<16x128xf32, #tpu.memory_space<vmem>>)
    %run_scoped3A_54 = arith.constant 0 : i32
    "tpu.region"() ({
      %run_scoped3A_56 = tpu.sem_alloc : memref<!tpu.dma_semaphore, #tpu.memory_space<semaphore_mem>>
      %dma_start3A_57 = arith.constant 0 : i32
      %dma_start3A_58 = arith.constant 0 : i32
      %dma_start3A_59 = tpu.memref_slice %arg13[%dma_start3A_57, %dma_start3A_58] : memref<128x128xf32, #tpu.memory_space<vmem>> -> memref<16x128xf32, #tpu.memory_space<vmem>>
      %dma_start3A_60 = arith.constant 0 : i32
      %dma_start3A_61 = tpu.memref_slice %arg10[%run_scoped3A_54, %dma_start3A_60] : memref<1x16xi32, #tpu.memory_space<vmem>> -> memref<1x16xi32, #tpu.memory_space<vmem>>
      %dma_start3A_62 = tpu.memref_squeeze %dma_start3A_61 : memref<1x16xi32, #tpu.memory_space<vmem>> -> memref<16xi32, #tpu.memory_space<vmem>>
      %dma_start3A_63 = arith.constant 0 : i32
      %dma_start3A_64 = arith.constant 0 : i32
      %dma_start3A_65 = tpu.memref_slice %arg14[%dma_start3A_63, %dma_start3A_64] : memref<10112x128xf32, #tpu.memory_space<vmem_shared>> -> memref<10112x128xf32, #tpu.memory_space<vmem_shared>>
      tpu.enqueue_indirect_dma source(%dma_start3A_59 : memref<16x128xf32, #tpu.memory_space<vmem>>) target(%dma_start3A_65 : memref<10112x128xf32, #tpu.memory_space<vmem_shared>>) offsets(%dma_start3A_62 : memref<16xi32, #tpu.memory_space<vmem>>) semaphore(%run_scoped3A_56 : memref<!tpu.dma_semaphore, #tpu.memory_space<semaphore_mem>>) {add = true}
      %dma_wait3A_66 = arith.constant 0 : i32
      %dma_wait3A_67 = arith.constant 0 : i32
      %dma_wait3A_68 = tpu.memref_slice %arg13[%dma_wait3A_66, %dma_wait3A_67] : memref<128x128xf32, #tpu.memory_space<vmem>> -> memref<16x128xf32, #tpu.memory_space<vmem>>
      %dma_wait3A_69 = arith.constant 0 : i32
      %dma_wait3A_70 = tpu.memref_slice %arg10[%run_scoped3A_54, %dma_wait3A_69] : memref<1x16xi32, #tpu.memory_space<vmem>> -> memref<1x16xi32, #tpu.memory_space<vmem>>
      %dma_wait3A_71 = tpu.memref_squeeze %dma_wait3A_70 : memref<1x16xi32, #tpu.memory_space<vmem>> -> memref<16xi32, #tpu.memory_space<vmem>>
      %dma_wait3A_72 = arith.constant 0 : i32
      %dma_wait3A_73 = arith.constant 0 : i32
      %dma_wait3A_74 = tpu.memref_slice %arg14[%dma_wait3A_72, %dma_wait3A_73] : memref<10112x128xf32, #tpu.memory_space<vmem_shared>> -> memref<10112x128xf32, #tpu.memory_space<vmem_shared>>
      tpu.wait_indirect_dma semaphore(%run_scoped3A_56 : memref<!tpu.dma_semaphore, #tpu.memory_space<semaphore_mem>>) src(%dma_wait3A_68 : memref<16x128xf32, #tpu.memory_space<vmem>>) dst(%dma_wait3A_74 : memref<10112x128xf32, #tpu.memory_space<vmem_shared>>)
      tpu.yield
    }) : () -> ()
    %barrier3A_55 = arith.constant 0 : index
    tpu.barrier barrier_id(%barrier3A_55)
    "tpu.region"() ({
      %run_scoped3A_56 = tpu.sem_alloc : memref<!tpu.dma_semaphore, #tpu.memory_space<semaphore_mem>>
      %dma_start3A_57 = arith.constant 0 : i32
      %dma_start3A_58 = arith.constant 0 : i32
      %dma_start3A_59 = tpu.memref_slice %arg6[%arg0, %dma_start3A_57, %dma_start3A_58] : memref<2x10112x128xf32, #tpu.memory_space<hbm>> -> memref<1x10112x128xf32, #tpu.memory_space<hbm>>
      %dma_start3A_60 = tpu.memref_squeeze %dma_start3A_59 : memref<1x10112x128xf32, #tpu.memory_space<hbm>> -> memref<10112x128xf32, #tpu.memory_space<hbm>>
      tpu.enqueue_dma source(%arg14 : memref<10112x128xf32, #tpu.memory_space<vmem_shared>>) target(%dma_start3A_60 : memref<10112x128xf32, #tpu.memory_space<hbm>>) target_semaphore(%run_scoped3A_56 : memref<!tpu.dma_semaphore, #tpu.memory_space<semaphore_mem>>)
      %dma_wait3A_61 = arith.constant 0 : i32
      %dma_wait3A_62 = arith.constant 0 : i32
      %dma_wait3A_63 = tpu.memref_slice %arg6[%arg0, %dma_wait3A_61, %dma_wait3A_62] : memref<2x10112x128xf32, #tpu.memory_space<hbm>> -> memref<1x10112x128xf32, #tpu.memory_space<hbm>>
      %dma_wait3A_64 = tpu.memref_squeeze %dma_wait3A_63 : memref<1x10112x128xf32, #tpu.memory_space<hbm>> -> memref<10112x128xf32, #tpu.memory_space<hbm>>
      tpu.wait_dma2 semaphore(%run_scoped3A_56 : memref<!tpu.dma_semaphore, #tpu.memory_space<semaphore_mem>>) src(%arg14 : memref<10112x128xf32, #tpu.memory_space<vmem_shared>>) dst(%dma_wait3A_64 : memref<10112x128xf32, #tpu.memory_space<hbm>>)
      tpu.yield
    }) : () -> ()
    return
  }
}

#map = affine_map<(d0, d1) -> (0)>
#map1 = affine_map<(d0, d1) -> (0, 0)>
#map2 = affine_map<(d0, d1) -> (0, 0, 0)>
module attributes {stable_mosaic.version = 14 : i64} {
  func.func @_sc_degree(%arg0: i32, %arg1: i32, %arg2: memref<320000xi32, #tpu.memory_space<hbm>>, %arg3: memref<10112x16xf32, #tpu.memory_space<hbm>>, %arg4: memref<2x10112x16xf32, #tpu.memory_space<hbm>>, %arg5: memref<1x128xi32, #tpu.memory_space<vmem>>, %arg6: memref<1x16xi32, #tpu.memory_space<vmem>>, %arg7: memref<128x16xf32, #tpu.memory_space<vmem>>, %arg8: memref<10112x16xf32, #tpu.memory_space<vmem_shared>>) attributes {dimension_semantics = [#tpu.dimension_semantics<core_parallel>, #tpu.dimension_semantics<subcore_parallel>], iteration_bounds = array<i64: 2, 16>, scalar_prefetch = 0 : i64, scratch_operands = 4 : i64, tpu.core_type = #tpu.core_type<sc_vector_subcore>, window_params = [{transform_indices = #map}, {transform_indices = #map1}, {transform_indices = #map2}]} {
    %mul3A = arith.constant 2 : i32
    %mul3A_0 = arith.muli %arg1, %mul3A : i32
    %add3A = arith.addi %mul3A_0, %arg0 : i32
    %scan3A = arith.constant 0 : i32
    %scan3A_1 = arith.constant 128 : i32
    %scan3A_2 = arith.addi %scan3A, %scan3A_1 : i32
    %scan3A_3 = arith.constant 1 : i32
    scf.for %scan3A_16 = %scan3A to %scan3A_2 step %scan3A_3  : i32 {
      %mul3A_17 = arith.constant 1 : i32
      %mul3A_18 = arith.muli %scan3A_16, %mul3A_17 : i32
      %add3A_19 = arith.constant 0 : i32
      %add3A_20 = arith.addi %add3A_19, %mul3A_18 : i32
      %broadcast_in_dim3A = arith.constant 1.000000e+00 : f32
      %broadcast_in_dim3A_21 = vector.broadcast %broadcast_in_dim3A : f32 to vector<16xf32>
      %swap3A = arith.index_cast %add3A_20 : i32 to index
      %swap3A_22 = arith.constant 0 : index
      %swap3A_23 = tpu.vector_load %arg7[%swap3A, %swap3A_22] {strides = array<i32>} : memref<128x16xf32, #tpu.memory_space<vmem>>, vector<1x16xf32>,
      %swap3A_24 = vector.shape_cast %swap3A_23 : vector<1x16xf32> to vector<16xf32>
      %swap3A_25 = vector.shape_cast %broadcast_in_dim3A_21 : vector<16xf32> to vector<1x16xf32>
      tpu.vector_store %arg7[%swap3A, %swap3A_22], %swap3A_25 {strides = array<i32>} : memref<128x16xf32, #tpu.memory_space<vmem>>, vector<1x16xf32>,
    }
    %scan3A_4 = arith.constant 128 : i32
    "tpu.region"() ({
      %run_scoped3A_16 = tpu.sem_alloc : memref<!tpu.dma_semaphore, #tpu.memory_space<semaphore_mem>>
      tpu.enqueue_dma source(%arg3 : memref<10112x16xf32, #tpu.memory_space<hbm>>) target(%arg8 : memref<10112x16xf32, #tpu.memory_space<vmem_shared>>) target_semaphore(%run_scoped3A_16 : memref<!tpu.dma_semaphore, #tpu.memory_space<semaphore_mem>>)
      tpu.wait_dma2 semaphore(%run_scoped3A_16 : memref<!tpu.dma_semaphore, #tpu.memory_space<semaphore_mem>>) src(%arg3 : memref<10112x16xf32, #tpu.memory_space<hbm>>) dst(%arg8 : memref<10112x16xf32, #tpu.memory_space<vmem_shared>>)
      tpu.yield
    }) : () -> ()
    %barrier3A = arith.constant 0 : index
    tpu.barrier barrier_id(%barrier3A)
    %scan3A_5 = arith.constant 0 : i32
    %scan3A_6 = arith.constant 78 : i32
    %scan3A_7 = arith.addi %scan3A_5, %scan3A_6 : i32
    %scan3A_8 = arith.constant 1 : i32
    scf.for %scan3A_16 = %scan3A_5 to %scan3A_7 step %scan3A_8  : i32 {
      %mul3A_17 = arith.constant 1 : i32
      %mul3A_18 = arith.muli %scan3A_16, %mul3A_17 : i32
      %add3A_19 = arith.constant 0 : i32
      %add3A_20 = arith.addi %add3A_19, %mul3A_18 : i32
      %mul3A_21 = arith.constant 10000 : i32
      %mul3A_22 = arith.muli %add3A, %mul3A_21 : i32
      %mul3A_23 = arith.constant 128 : i32
      %mul3A_24 = arith.muli %add3A_20, %mul3A_23 : i32
      %add3A_25 = arith.addi %mul3A_22, %mul3A_24 : i32
      %run_scoped3A_26 = arith.constant 0 : i32
      "tpu.region"() ({
        %run_scoped3A_28 = tpu.sem_alloc : memref<!tpu.dma_semaphore, #tpu.memory_space<semaphore_mem>>
        %dma_start3A = arith.constant 0 : i32
        %dma_start3A_29 = tpu.memref_slice %arg5[%run_scoped3A_26, %dma_start3A] : memref<1x128xi32, #tpu.memory_space<vmem>> -> memref<1x128xi32, #tpu.memory_space<vmem>>
        %dma_start3A_30 = tpu.memref_squeeze %dma_start3A_29 : memref<1x128xi32, #tpu.memory_space<vmem>> -> memref<128xi32, #tpu.memory_space<vmem>>
        %dma_start3A_31 = tpu.memref_slice %arg2[%add3A_25] : memref<320000xi32, #tpu.memory_space<hbm>> -> memref<128xi32, #tpu.memory_space<hbm>>
        %dma_start3A_32 = arith.constant 0 : i32
        %dma_start3A_33 = tpu.memref_slice %arg5[%run_scoped3A_26, %dma_start3A_32] : memref<1x128xi32, #tpu.memory_space<vmem>> -> memref<1x128xi32, #tpu.memory_space<vmem>>
        %dma_start3A_34 = tpu.memref_squeeze %dma_start3A_33 : memref<1x128xi32, #tpu.memory_space<vmem>> -> memref<128xi32, #tpu.memory_space<vmem>>
        %dma_start3A_35 = tpu.memref_slice %arg2[%add3A_25] : memref<320000xi32, #tpu.memory_space<hbm>> -> memref<128xi32, #tpu.memory_space<hbm>>
        tpu.enqueue_dma source(%dma_start3A_35 : memref<128xi32, #tpu.memory_space<hbm>>) target(%dma_start3A_34 : memref<128xi32, #tpu.memory_space<vmem>>) target_semaphore(%run_scoped3A_28 : memref<!tpu.dma_semaphore, #tpu.memory_space<semaphore_mem>>)
        %dma_wait3A = arith.constant 0 : i32
        %dma_wait3A_36 = tpu.memref_slice %arg5[%run_scoped3A_26, %dma_wait3A] : memref<1x128xi32, #tpu.memory_space<vmem>> -> memref<1x128xi32, #tpu.memory_space<vmem>>
        %dma_wait3A_37 = tpu.memref_squeeze %dma_wait3A_36 : memref<1x128xi32, #tpu.memory_space<vmem>> -> memref<128xi32, #tpu.memory_space<vmem>>
        %dma_wait3A_38 = tpu.memref_slice %arg2[%add3A_25] : memref<320000xi32, #tpu.memory_space<hbm>> -> memref<128xi32, #tpu.memory_space<hbm>>
        %dma_wait3A_39 = arith.constant 0 : i32
        %dma_wait3A_40 = tpu.memref_slice %arg5[%run_scoped3A_26, %dma_wait3A_39] : memref<1x128xi32, #tpu.memory_space<vmem>> -> memref<1x128xi32, #tpu.memory_space<vmem>>
        %dma_wait3A_41 = tpu.memref_squeeze %dma_wait3A_40 : memref<1x128xi32, #tpu.memory_space<vmem>> -> memref<128xi32, #tpu.memory_space<vmem>>
        %dma_wait3A_42 = tpu.memref_slice %arg2[%add3A_25] : memref<320000xi32, #tpu.memory_space<hbm>> -> memref<128xi32, #tpu.memory_space<hbm>>
        tpu.wait_dma2 semaphore(%run_scoped3A_28 : memref<!tpu.dma_semaphore, #tpu.memory_space<semaphore_mem>>) src(%dma_wait3A_42 : memref<128xi32, #tpu.memory_space<hbm>>) dst(%dma_wait3A_41 : memref<128xi32, #tpu.memory_space<vmem>>)
        tpu.yield
      }) : () -> ()
      %run_scoped3A_27 = arith.constant 0 : i32
      "tpu.region"() ({
        %run_scoped3A_28 = tpu.sem_alloc : memref<!tpu.dma_semaphore, #tpu.memory_space<semaphore_mem>>
        %dma_start3A = arith.constant 0 : i32
        %dma_start3A_29 = tpu.memref_slice %arg5[%run_scoped3A_27, %dma_start3A] : memref<1x128xi32, #tpu.memory_space<vmem>> -> memref<1x128xi32, #tpu.memory_space<vmem>>
        %dma_start3A_30 = tpu.memref_squeeze %dma_start3A_29 : memref<1x128xi32, #tpu.memory_space<vmem>> -> memref<128xi32, #tpu.memory_space<vmem>>
        %dma_start3A_31 = arith.constant 0 : i32
        %dma_start3A_32 = arith.constant 0 : i32
        %dma_start3A_33 = tpu.memref_slice %arg8[%dma_start3A_31, %dma_start3A_32] : memref<10112x16xf32, #tpu.memory_space<vmem_shared>> -> memref<10112x16xf32, #tpu.memory_space<vmem_shared>>
        tpu.enqueue_indirect_dma source(%arg7 : memref<128x16xf32, #tpu.memory_space<vmem>>) target(%dma_start3A_33 : memref<10112x16xf32, #tpu.memory_space<vmem_shared>>) offsets(%dma_start3A_30 : memref<128xi32, #tpu.memory_space<vmem>>) semaphore(%run_scoped3A_28 : memref<!tpu.dma_semaphore, #tpu.memory_space<semaphore_mem>>) {add = true}
        %dma_wait3A = arith.constant 0 : i32
        %dma_wait3A_34 = tpu.memref_slice %arg5[%run_scoped3A_27, %dma_wait3A] : memref<1x128xi32, #tpu.memory_space<vmem>> -> memref<1x128xi32, #tpu.memory_space<vmem>>
        %dma_wait3A_35 = tpu.memref_squeeze %dma_wait3A_34 : memref<1x128xi32, #tpu.memory_space<vmem>> -> memref<128xi32, #tpu.memory_space<vmem>>
        %dma_wait3A_36 = arith.constant 0 : i32
        %dma_wait3A_37 = arith.constant 0 : i32
        %dma_wait3A_38 = tpu.memref_slice %arg8[%dma_wait3A_36, %dma_wait3A_37] : memref<10112x16xf32, #tpu.memory_space<vmem_shared>> -> memref<10112x16xf32, #tpu.memory_space<vmem_shared>>
        tpu.wait_indirect_dma semaphore(%run_scoped3A_28 : memref<!tpu.dma_semaphore, #tpu.memory_space<semaphore_mem>>) src(%arg7 : memref<128x16xf32, #tpu.memory_space<vmem>>) dst(%dma_wait3A_38 : memref<10112x16xf32, #tpu.memory_space<vmem_shared>>)
        tpu.yield
      }) : () -> ()
    }
    %scan3A_9 = arith.constant 78 : i32
    %mul3A_10 = arith.constant 10000 : i32
    %mul3A_11 = arith.muli %add3A, %mul3A_10 : i32
    %add3A_12 = arith.constant 9984 : i32
    %add3A_13 = arith.addi %mul3A_11, %add3A_12 : i32
    %run_scoped3A = arith.constant 0 : i32
    "tpu.region"() ({
      %run_scoped3A_16 = tpu.sem_alloc : memref<!tpu.dma_semaphore, #tpu.memory_space<semaphore_mem>>
      %dma_start3A = arith.constant 0 : i32
      %dma_start3A_17 = tpu.memref_slice %arg6[%run_scoped3A, %dma_start3A] : memref<1x16xi32, #tpu.memory_space<vmem>> -> memref<1x16xi32, #tpu.memory_space<vmem>>
      %dma_start3A_18 = tpu.memref_squeeze %dma_start3A_17 : memref<1x16xi32, #tpu.memory_space<vmem>> -> memref<16xi32, #tpu.memory_space<vmem>>
      %dma_start3A_19 = tpu.memref_slice %arg2[%add3A_13] : memref<320000xi32, #tpu.memory_space<hbm>> -> memref<16xi32, #tpu.memory_space<hbm>>
      %dma_start3A_20 = arith.constant 0 : i32
      %dma_start3A_21 = tpu.memref_slice %arg6[%run_scoped3A, %dma_start3A_20] : memref<1x16xi32, #tpu.memory_space<vmem>> -> memref<1x16xi32, #tpu.memory_space<vmem>>
      %dma_start3A_22 = tpu.memref_squeeze %dma_start3A_21 : memref<1x16xi32, #tpu.memory_space<vmem>> -> memref<16xi32, #tpu.memory_space<vmem>>
      %dma_start3A_23 = tpu.memref_slice %arg2[%add3A_13] : memref<320000xi32, #tpu.memory_space<hbm>> -> memref<16xi32, #tpu.memory_space<hbm>>
      tpu.enqueue_dma source(%dma_start3A_23 : memref<16xi32, #tpu.memory_space<hbm>>) target(%dma_start3A_22 : memref<16xi32, #tpu.memory_space<vmem>>) target_semaphore(%run_scoped3A_16 : memref<!tpu.dma_semaphore, #tpu.memory_space<semaphore_mem>>)
      %dma_wait3A = arith.constant 0 : i32
      %dma_wait3A_24 = tpu.memref_slice %arg6[%run_scoped3A, %dma_wait3A] : memref<1x16xi32, #tpu.memory_space<vmem>> -> memref<1x16xi32, #tpu.memory_space<vmem>>
      %dma_wait3A_25 = tpu.memref_squeeze %dma_wait3A_24 : memref<1x16xi32, #tpu.memory_space<vmem>> -> memref<16xi32, #tpu.memory_space<vmem>>
      %dma_wait3A_26 = tpu.memref_slice %arg2[%add3A_13] : memref<320000xi32, #tpu.memory_space<hbm>> -> memref<16xi32, #tpu.memory_space<hbm>>
      %dma_wait3A_27 = arith.constant 0 : i32
      %dma_wait3A_28 = tpu.memref_slice %arg6[%run_scoped3A, %dma_wait3A_27] : memref<1x16xi32, #tpu.memory_space<vmem>> -> memref<1x16xi32, #tpu.memory_space<vmem>>
      %dma_wait3A_29 = tpu.memref_squeeze %dma_wait3A_28 : memref<1x16xi32, #tpu.memory_space<vmem>> -> memref<16xi32, #tpu.memory_space<vmem>>
      %dma_wait3A_30 = tpu.memref_slice %arg2[%add3A_13] : memref<320000xi32, #tpu.memory_space<hbm>> -> memref<16xi32, #tpu.memory_space<hbm>>
      tpu.wait_dma2 semaphore(%run_scoped3A_16 : memref<!tpu.dma_semaphore, #tpu.memory_space<semaphore_mem>>) src(%dma_wait3A_30 : memref<16xi32, #tpu.memory_space<hbm>>) dst(%dma_wait3A_29 : memref<16xi32, #tpu.memory_space<vmem>>)
      tpu.yield
    }) : () -> ()
    %run_scoped3A_14 = arith.constant 0 : i32
    "tpu.region"() ({
      %run_scoped3A_16 = tpu.sem_alloc : memref<!tpu.dma_semaphore, #tpu.memory_space<semaphore_mem>>
      %dma_start3A = arith.constant 0 : i32
      %dma_start3A_17 = arith.constant 0 : i32
      %dma_start3A_18 = tpu.memref_slice %arg7[%dma_start3A, %dma_start3A_17] : memref<128x16xf32, #tpu.memory_space<vmem>> -> memref<16x16xf32, #tpu.memory_space<vmem>>
      %dma_start3A_19 = arith.constant 0 : i32
      %dma_start3A_20 = tpu.memref_slice %arg6[%run_scoped3A_14, %dma_start3A_19] : memref<1x16xi32, #tpu.memory_space<vmem>> -> memref<1x16xi32, #tpu.memory_space<vmem>>
      %dma_start3A_21 = tpu.memref_squeeze %dma_start3A_20 : memref<1x16xi32, #tpu.memory_space<vmem>> -> memref<16xi32, #tpu.memory_space<vmem>>
      %dma_start3A_22 = arith.constant 0 : i32
      %dma_start3A_23 = arith.constant 0 : i32
      %dma_start3A_24 = tpu.memref_slice %arg8[%dma_start3A_22, %dma_start3A_23] : memref<10112x16xf32, #tpu.memory_space<vmem_shared>> -> memref<10112x16xf32, #tpu.memory_space<vmem_shared>>
      tpu.enqueue_indirect_dma source(%dma_start3A_18 : memref<16x16xf32, #tpu.memory_space<vmem>>) target(%dma_start3A_24 : memref<10112x16xf32, #tpu.memory_space<vmem_shared>>) offsets(%dma_start3A_21 : memref<16xi32, #tpu.memory_space<vmem>>) semaphore(%run_scoped3A_16 : memref<!tpu.dma_semaphore, #tpu.memory_space<semaphore_mem>>) {add = true}
      %dma_wait3A = arith.constant 0 : i32
      %dma_wait3A_25 = arith.constant 0 : i32
      %dma_wait3A_26 = tpu.memref_slice %arg7[%dma_wait3A, %dma_wait3A_25] : memref<128x16xf32, #tpu.memory_space<vmem>> -> memref<16x16xf32, #tpu.memory_space<vmem>>
      %dma_wait3A_27 = arith.constant 0 : i32
      %dma_wait3A_28 = tpu.memref_slice %arg6[%run_scoped3A_14, %dma_wait3A_27] : memref<1x16xi32, #tpu.memory_space<vmem>> -> memref<1x16xi32, #tpu.memory_space<vmem>>
      %dma_wait3A_29 = tpu.memref_squeeze %dma_wait3A_28 : memref<1x16xi32, #tpu.memory_space<vmem>> -> memref<16xi32, #tpu.memory_space<vmem>>
      %dma_wait3A_30 = arith.constant 0 : i32
      %dma_wait3A_31 = arith.constant 0 : i32
      %dma_wait3A_32 = tpu.memref_slice %arg8[%dma_wait3A_30, %dma_wait3A_31] : memref<10112x16xf32, #tpu.memory_space<vmem_shared>> -> memref<10112x16xf32, #tpu.memory_space<vmem_shared>>
      tpu.wait_indirect_dma semaphore(%run_scoped3A_16 : memref<!tpu.dma_semaphore, #tpu.memory_space<semaphore_mem>>) src(%dma_wait3A_26 : memref<16x16xf32, #tpu.memory_space<vmem>>) dst(%dma_wait3A_32 : memref<10112x16xf32, #tpu.memory_space<vmem_shared>>)
      tpu.yield
    }) : () -> ()
    %barrier3A_15 = arith.constant 0 : index
    tpu.barrier barrier_id(%barrier3A_15)
    "tpu.region"() ({
      %run_scoped3A_16 = tpu.sem_alloc : memref<!tpu.dma_semaphore, #tpu.memory_space<semaphore_mem>>
      %dma_start3A = arith.constant 0 : i32
      %dma_start3A_17 = arith.constant 0 : i32
      %dma_start3A_18 = tpu.memref_slice %arg4[%arg0, %dma_start3A, %dma_start3A_17] : memref<2x10112x16xf32, #tpu.memory_space<hbm>> -> memref<1x10112x16xf32, #tpu.memory_space<hbm>>
      %dma_start3A_19 = tpu.memref_squeeze %dma_start3A_18 : memref<1x10112x16xf32, #tpu.memory_space<hbm>> -> memref<10112x16xf32, #tpu.memory_space<hbm>>
      tpu.enqueue_dma source(%arg8 : memref<10112x16xf32, #tpu.memory_space<vmem_shared>>) target(%dma_start3A_19 : memref<10112x16xf32, #tpu.memory_space<hbm>>) target_semaphore(%run_scoped3A_16 : memref<!tpu.dma_semaphore, #tpu.memory_space<semaphore_mem>>)
      %dma_wait3A = arith.constant 0 : i32
      %dma_wait3A_20 = arith.constant 0 : i32
      %dma_wait3A_21 = tpu.memref_slice %arg4[%arg0, %dma_wait3A, %dma_wait3A_20] : memref<2x10112x16xf32, #tpu.memory_space<hbm>> -> memref<1x10112x16xf32, #tpu.memory_space<hbm>>
      %dma_wait3A_22 = tpu.memref_squeeze %dma_wait3A_21 : memref<1x10112x16xf32, #tpu.memory_space<hbm>> -> memref<10112x16xf32, #tpu.memory_space<hbm>>
      tpu.wait_dma2 semaphore(%run_scoped3A_16 : memref<!tpu.dma_semaphore, #tpu.memory_space<semaphore_mem>>) src(%arg8 : memref<10112x16xf32, #tpu.memory_space<vmem_shared>>) dst(%dma_wait3A_22 : memref<10112x16xf32, #tpu.memory_space<hbm>>)
      tpu.yield
    }) : () -> ()
    return
  }
}

module attributes {stable_mosaic.version = 14 : i64} {
  func.func @_tc_matmul_body(%arg0: i32, %arg1: memref<1000x128xf32, #tpu.memory_space<vmem>>, %arg2: memref<128x128xf32, #tpu.memory_space<vmem>>, %arg3: memref<1000x128xf32, #tpu.memory_space<vmem>>) attributes {dimension_semantics = [#tpu.dimension_semantics<arbitrary>], iteration_bounds = array<i64: 10>, scalar_prefetch = 0 : i64, scratch_operands = 0 : i64, tpu.core_type = #tpu.core_type<tc>, window_params = [{transform_indices = @transform_0, window_bounds = array<i64: 1000, 128>}, {pipeline_mode = #tpu.pipeline_mode<synchronous>, transform_indices = @transform_1, window_bounds = array<i64: 128, 128>}, {transform_indices = @transform_2, window_bounds = array<i64: 1000, 128>}]} {
    %get3A = arith.constant 0 : index
    %get3A_0 = arith.constant 0 : index
    %get3A_1 = vector.load %arg1[%get3A, %get3A_0] : memref<1000x128xf32, #tpu.memory_space<vmem>>, vector<1000x128xf32>
    %get3A_2 = arith.constant 0 : index
    %get3A_3 = arith.constant 0 : index
    %get3A_4 = vector.load %arg2[%get3A_2, %get3A_3] : memref<128x128xf32, #tpu.memory_space<vmem>>, vector<128x128xf32>
    %dot_general3A = arith.constant dense<0.000000e+00> : vector<1000x128xf32>
    %dot_general3A_5 = tpu.matmul %get3A_1, %get3A_4, %dot_general3A {dimension_numbers = #tpu.dot_dimension_numbers<[1], [0], [0], [1], [0, 0, 1, 1], [], []>, transpose_lhs_hint = false} : vector<1000x128xf32>, vector<128x128xf32>, vector<1000x128xf32> -> vector<1000x128xf32>
    %swap3A = arith.constant 0 : index
    %swap3A_6 = arith.constant 0 : index
    %swap3A_7 = vector.load %arg3[%swap3A, %swap3A_6] : memref<1000x128xf32, #tpu.memory_space<vmem>>, vector<1000x128xf32>
    tpu.vector_store %arg3[%swap3A, %swap3A_6], %dot_general3A_5 {strides = array<i32>} : memref<1000x128xf32, #tpu.memory_space<vmem>>, vector<1000x128xf32>,
    return
  }
  func.func @transform_0(%arg0: i32) -> (i32, i32) {
    %c0_i32 = arith.constant 0 : i32
    %c0_i32_0 = arith.constant 0 : i32
    return %arg0, %c0_i32 : i32, i32
  }
  func.func @transform_1(%arg0: i32) -> (i32, i32) {
    %c0_i32 = arith.constant 0 : i32
    %c0_i32_0 = arith.constant 0 : i32
    %c0_i32_1 = arith.constant 0 : i32
    return %c0_i32, %c0_i32_0 : i32, i32
  }
  func.func @transform_2(%arg0: i32) -> (i32, i32) {
    %c0_i32 = arith.constant 0 : i32
    %c0_i32_0 = arith.constant 0 : i32
    return %arg0, %c0_i32 : i32, i32
  }
}

module attributes {stable_mosaic.version = 14 : i64} {
  func.func @_tc_scale_body(%arg0: i32, %arg1: memref<2x1000x16xf32, #tpu.memory_space<vmem>>, %arg2: memref<1000x128xf32, #tpu.memory_space<vmem>>, %arg3: memref<1000x128xf32, #tpu.memory_space<vmem>>) attributes {dimension_semantics = [#tpu.dimension_semantics<arbitrary>], iteration_bounds = array<i64: 10>, scalar_prefetch = 0 : i64, scratch_operands = 0 : i64, tpu.core_type = #tpu.core_type<tc>, window_params = [{transform_indices = @transform_0, window_bounds = array<i64: 2, 1000, 16>}, {transform_indices = @transform_1, window_bounds = array<i64: 1000, 128>}, {transform_indices = @transform_2, window_bounds = array<i64: 1000, 128>}]} {
    %get3A = arith.constant 0 : index
    %get3A_0 = arith.constant 0 : index
    %get3A_1 = arith.constant 0 : index
    %get3A_2 = vector.load %arg1[%get3A, %get3A_0, %get3A_1] : memref<2x1000x16xf32, #tpu.memory_space<vmem>>, vector<1x1000x1xf32>
    %get3A_3 = vector.shape_cast %get3A_2 : vector<1x1000x1xf32> to vector<1000x1xf32>
    %get3A_4 = arith.constant 1 : index
    %get3A_5 = arith.constant 0 : index
    %get3A_6 = arith.constant 0 : index
    %get3A_7 = vector.load %arg1[%get3A_4, %get3A_5, %get3A_6] : memref<2x1000x16xf32, #tpu.memory_space<vmem>>, vector<1x1000x1xf32>
    %get3A_8 = vector.shape_cast %get3A_7 : vector<1x1000x1xf32> to vector<1000x1xf32>
    %add3A = arith.addf %get3A_3, %get3A_8 : vector<1000x1xf32>
    %add3A_9 = arith.constant 1.000000e+00 : f32
    %add3A_10 = vector.broadcast %add3A_9 : f32 to vector<1000x1xf32>
    %add3A_11 = arith.addf %add3A, %add3A_10 : vector<1000x1xf32>
    %rsqrt3A = math.rsqrt %add3A_11 : vector<1000x1xf32>
    %get3A_12 = arith.constant 0 : index
    %get3A_13 = arith.constant 0 : index
    %get3A_14 = vector.load %arg2[%get3A_12, %get3A_13] : memref<1000x128xf32, #tpu.memory_space<vmem>>, vector<1000x128xf32>
    %mul3A = vector.broadcast %rsqrt3A : vector<1000x1xf32> to vector<1000x128xf32>
    %mul3A_15 = arith.mulf %mul3A, %get3A_14 : vector<1000x128xf32>
    %swap3A = arith.constant 0 : index
    %swap3A_16 = arith.constant 0 : index
    %swap3A_17 = vector.load %arg3[%swap3A, %swap3A_16] : memref<1000x128xf32, #tpu.memory_space<vmem>>, vector<1000x128xf32>
    tpu.vector_store %arg3[%swap3A, %swap3A_16], %mul3A_15 {strides = array<i32>} : memref<1000x128xf32, #tpu.memory_space<vmem>>, vector<1000x128xf32>,
    return
  }
  func.func @transform_0(%arg0: i32) -> (i32, i32, i32) {
    %c0_i32 = arith.constant 0 : i32
    %c0_i32_0 = arith.constant 0 : i32
    %c0_i32_1 = arith.constant 0 : i32
    return %c0_i32, %arg0, %c0_i32_0 : i32, i32, i32
  }
  func.func @transform_1(%arg0: i32) -> (i32, i32) {
    %c0_i32 = arith.constant 0 : i32
    %c0_i32_0 = arith.constant 0 : i32
    return %arg0, %c0_i32 : i32, i32
  }
  func.func @transform_2(%arg0: i32) -> (i32, i32) {
    %c0_i32 = arith.constant 0 : i32
    %c0_i32_0 = arith.constant 0 : i32
    return %arg0, %c0_i32 : i32, i32
  }
}

module attributes {stable_mosaic.version = 14 : i64} {
  func.func @_tc_final_body(%arg0: i32, %arg1: memref<2x1000x128xf32, #tpu.memory_space<vmem>>, %arg2: memref<1000x128xf32, #tpu.memory_space<vmem>>, %arg3: memref<2x1000x16xf32, #tpu.memory_space<vmem>>, %arg4: memref<1x128xf32, #tpu.memory_space<vmem>>, %arg5: memref<1000x128xf32, #tpu.memory_space<vmem>>) attributes {dimension_semantics = [#tpu.dimension_semantics<arbitrary>], iteration_bounds = array<i64: 10>, scalar_prefetch = 0 : i64, scratch_operands = 0 : i64, tpu.core_type = #tpu.core_type<tc>, window_params = [{transform_indices = @transform_0, window_bounds = array<i64: 2, 1000, 128>}, {transform_indices = @transform_1, window_bounds = array<i64: 1000, 128>}, {transform_indices = @transform_2, window_bounds = array<i64: 2, 1000, 16>}, {pipeline_mode = #tpu.pipeline_mode<synchronous>, transform_indices = @transform_3, window_bounds = array<i64: 1, 128>}, {transform_indices = @transform_4, window_bounds = array<i64: 1000, 128>}]} {
    %get3A = arith.constant 0 : index
    %get3A_0 = arith.constant 0 : index
    %get3A_1 = arith.constant 0 : index
    %get3A_2 = vector.load %arg3[%get3A, %get3A_0, %get3A_1] : memref<2x1000x16xf32, #tpu.memory_space<vmem>>, vector<1x1000x1xf32>
    %get3A_3 = vector.shape_cast %get3A_2 : vector<1x1000x1xf32> to vector<1000x1xf32>
    %get3A_4 = arith.constant 1 : index
    %get3A_5 = arith.constant 0 : index
    %get3A_6 = arith.constant 0 : index
    %get3A_7 = vector.load %arg3[%get3A_4, %get3A_5, %get3A_6] : memref<2x1000x16xf32, #tpu.memory_space<vmem>>, vector<1x1000x1xf32>
    %get3A_8 = vector.shape_cast %get3A_7 : vector<1x1000x1xf32> to vector<1000x1xf32>
    %add3A = arith.addf %get3A_3, %get3A_8 : vector<1000x1xf32>
    %add3A_9 = arith.constant 1.000000e+00 : f32
    %add3A_10 = vector.broadcast %add3A_9 : f32 to vector<1000x1xf32>
    %add3A_11 = arith.addf %add3A, %add3A_10 : vector<1000x1xf32>
    %rsqrt3A = math.rsqrt %add3A_11 : vector<1000x1xf32>
    %get3A_12 = arith.constant 0 : index
    %get3A_13 = arith.constant 0 : index
    %get3A_14 = arith.constant 0 : index
    %get3A_15 = vector.load %arg1[%get3A_12, %get3A_13, %get3A_14] : memref<2x1000x128xf32, #tpu.memory_space<vmem>>, vector<1x1000x128xf32>
    %get3A_16 = vector.shape_cast %get3A_15 : vector<1x1000x128xf32> to vector<1000x128xf32>
    %get3A_17 = arith.constant 1 : index
    %get3A_18 = arith.constant 0 : index
    %get3A_19 = arith.constant 0 : index
    %get3A_20 = vector.load %arg1[%get3A_17, %get3A_18, %get3A_19] : memref<2x1000x128xf32, #tpu.memory_space<vmem>>, vector<1x1000x128xf32>
    %get3A_21 = vector.shape_cast %get3A_20 : vector<1x1000x128xf32> to vector<1000x128xf32>
    %add3A_22 = arith.addf %get3A_16, %get3A_21 : vector<1000x128xf32>
    %get3A_23 = arith.constant 0 : index
    %get3A_24 = arith.constant 0 : index
    %get3A_25 = vector.load %arg2[%get3A_23, %get3A_24] : memref<1000x128xf32, #tpu.memory_space<vmem>>, vector<1000x128xf32>
    %add3A_26 = arith.addf %add3A_22, %get3A_25 : vector<1000x128xf32>
    %mul3A = vector.broadcast %rsqrt3A : vector<1000x1xf32> to vector<1000x128xf32>
    %mul3A_27 = arith.mulf %mul3A, %add3A_26 : vector<1000x128xf32>
    %get3A_28 = arith.constant 0 : index
    %get3A_29 = arith.constant 0 : index
    %get3A_30 = vector.load %arg4[%get3A_28, %get3A_29] : memref<1x128xf32, #tpu.memory_space<vmem>>, vector<1x128xf32>
    %add3A_31 = vector.broadcast %get3A_30 : vector<1x128xf32> to vector<1000x128xf32>
    %add3A_32 = arith.addf %mul3A_27, %add3A_31 : vector<1000x128xf32>
    %max3A = arith.constant 0.000000e+00 : f32
    %max3A_33 = vector.broadcast %max3A : f32 to vector<1000x128xf32>
    %max3A_34 = arith.maximumf %add3A_32, %max3A_33 : vector<1000x128xf32>
    %swap3A = arith.constant 0 : index
    %swap3A_35 = arith.constant 0 : index
    %swap3A_36 = vector.load %arg5[%swap3A, %swap3A_35] : memref<1000x128xf32, #tpu.memory_space<vmem>>, vector<1000x128xf32>
    tpu.vector_store %arg5[%swap3A, %swap3A_35], %max3A_34 {strides = array<i32>} : memref<1000x128xf32, #tpu.memory_space<vmem>>, vector<1000x128xf32>,
    return
  }
  func.func @transform_0(%arg0: i32) -> (i32, i32, i32) {
    %c0_i32 = arith.constant 0 : i32
    %c0_i32_0 = arith.constant 0 : i32
    %c0_i32_1 = arith.constant 0 : i32
    return %c0_i32, %arg0, %c0_i32_0 : i32, i32, i32
  }
  func.func @transform_1(%arg0: i32) -> (i32, i32) {
    %c0_i32 = arith.constant 0 : i32
    %c0_i32_0 = arith.constant 0 : i32
    return %arg0, %c0_i32 : i32, i32
  }
  func.func @transform_2(%arg0: i32) -> (i32, i32, i32) {
    %c0_i32 = arith.constant 0 : i32
    %c0_i32_0 = arith.constant 0 : i32
    %c0_i32_1 = arith.constant 0 : i32
    return %c0_i32, %arg0, %c0_i32_0 : i32, i32, i32
  }
  func.func @transform_3(%arg0: i32) -> (i32, i32) {
    %c0_i32 = arith.constant 0 : i32
    %c0_i32_0 = arith.constant 0 : i32
    %c0_i32_1 = arith.constant 0 : i32
    return %c0_i32, %c0_i32_0 : i32, i32
  }
  func.func @transform_4(%arg0: i32) -> (i32, i32) {
    %c0_i32 = arith.constant 0 : i32
    %c0_i32_0 = arith.constant 0 : i32
    return %arg0, %c0_i32 : i32, i32
  }
}

</mosaic_0001>

<sc_bundles>
// kernel: kernel.10.cloned.1.call-start
scs
__scs_entry_jumppad:
0x0: {  	(pc) =	sbr.rel $0x88, $3  }
0x1: {  	(tag) =	ssettag $0x0;
	lr =	simm.s32 $0x1  }
0x2: {  	[smem:$0x3F9D] =	sst lr;
	_ =	strace $0xD0000000  }
0x3: {  	_ = 	snop  }
0x4: {  	_ = 	snop  }
0x5: {  	_ = 	snop  }
0x6: {  	_ = 	snop  }
0x7: {  	_ = 	snop  }
__scs_overlays_trampoline_lowered:
0x8: {  	[smem:$0x3FAC] =	sst s0  }
0x9: {  	[smem:$0x3FAD] =	sst s1  }
0xa: {  	[smem:$0x3FAE] =	sst s2  }
0xb: {  	[smem:$0x3FAF] =	sst s3  }
0xc: {  	[smem:$0x3FB0] =	sst s4  }
0xd: {  	[smem:$0x3FB1] =	sst s5  }
0xe: {  	[smem:$0x3FB2] =	sst s6  }
0xf: {  	[smem:$0x3FB3] =	sst s7  }
0x10: {  	[smem:$0x3FB4] =	sst s8  }
0x11: {  	[smem:$0x3FB5] =	sst s9;
	s0 =	simm.s32 @!p0 $0x0  }
0x12: {  	s1 =	sld [smem:$0x3F9B];
	s0 =	simm.s32 @p0 $0x1  }
0x13: {  	[smem:$0x3FB6] =	sst s0;
	s0 =	simm.s32 @!p1 $0x0  }
0x14: {  	s2 =	sld [smem:$0x3F9A];
	s0 =	simm.s32 @p1 $0x1  }
0x15: {  	[smem:$0x3FB7] =	sst s0;
	s0 =	simm.s32 @!p2 $0x0  }
0x16: {  	s3 =	sld [smem:$0x3FDB];
	s0 =	simm.s32 @p2 $0x1  }
0x17: {  	s4 =	simm.s32 $0x1BF5;
	[smem:$0x3FB9] =	sst s0  }
0x18: {  	s0 =	sld [smem:$0x3F9C];
	_ =	swait.ge [sflag:s4], $0x0  }
0x19: {  	s7 =	sld [smem:$0x3F9D]  }
0x1a: {  	s8 =	sadd.s32 $0xFFFFE003, lr  }
0x1b: {  	s9 =	sadd.s32 $0xFFFFFEF7, lr;
	s5 =	simm.s32 $0xFFFFFFFF;
	p2 =	slt.u32 s8, $0xFFFFF086  }
0x1c: {  	p1 =	slt.u32 s9, $0xF7A;
	s5 =	simm.s32 @!p2 $0x0  }
0x1d: {  	s5 =	simm.s32 @p1 $0x1;
	p0 =	seq.s32 s7, s2  }
0x1e: {  	s7 =	smul.u32 @!p0 $0xF7A, s2;
	p2 =	seq.s32 @!p0 s5, $0x0  }
0x1f: {  	s9 =	smul.u32 $0xF7A, s1;
	s8 =	simm.s32 @!p0 $0x1BF5;
	p2 =	por !p2, p0  }
0x20: {  	[sflag:s8] =	ssyncset.s32 @!p0 $0xFFFFF086;
	s6 =	sadd.s32 @!p0 s3, s7;
	s7 =	simm.s32 @!p0 $0x108  }
0x21: {  	s3 =	sadd.s32 s3, s9;
	s6 =	sadd.s32 @!p0 $0x88, s6;
	s7 =	simm.s32 @p2 $0x1082  }
0x22: {  	[simem:s7], [sflag:s8] =	dma.local @!p0 [hbm:s6], $0xF7A  }
0x23: {  	s9 =	sor.u32 $0xD0000000, s2;
	s6 =	simm.s32 $0x108;
	_ =	swait.ge @!p0 [sflag:s8], $0x0  }
0x24: {  	s3 =	sadd.s32 $0x88, s3;
	s6 =	simm.s32 @!p1 $0x1082;
	[sflag:s4] =	ssyncset.s32 $0xFFFFF086  }
0x25: {  	[simem:s6], [sflag:s4] =	dma.local [hbm:s3], $0xF7A  }
0x26: {  	[smem:$0x3F9D] =	sst s1;
	(tag) =	ssettag s2;
	_ =	strace s9  }
0x27: {  	s1 =	sld [smem:$0x3FAD]  }
0x28: {  	s2 =	sld [smem:$0x3FAE]  }
0x29: {  	s4 =	sld [smem:$0x3FB0]  }
0x2a: {  	p0 =	seq.s32 s5, $0x0;
	s5 =	sld [smem:$0x3FB1]  }
0x2b: {  	s6 =	sld [smem:$0x3FB2]  }
0x2c: {  	s7 =	sld [smem:$0x3FB3]  }
0x2d: {  	s3 =	simm.s32 $0x108;
	s8 =	sld [smem:$0x3FB4]  }
0x2e: {  	s3 =	simm.s32 @!p0 $0x1082;
	s9 =	sld [smem:$0x3FB5]  }
0x2f: {  	lr =	sadd.s32 s0, s3;
	s0 =	sld [smem:$0x3FAC]  }
0x30: {  	s3 =	sld [smem:$0x3FAF]  }
0x31: {  	[smem:$0x3FB8] =	sst s10  }
0x32: {  	s10 =	sld [smem:$0x3FB6];
	_ =	sdelay $0x3  }
0x33: {  	p0 =	seq.s32 s10, $0x1;
	s10 =	sld [smem:$0x3FB8];
	_ =	sdelay $0x3  }
0x34: {  	[smem:$0x3FB8] =	sst s10  }
0x35: {  	s10 =	sld [smem:$0x3FB7];
	_ =	sdelay $0x3  }
0x36: {  	p1 =	seq.s32 s10, $0x1;
	s10 =	sld [smem:$0x3FB8];
	_ =	sdelay $0x3  }
0x37: {  	[smem:$0x3FB8] =	sst s10  }
0x38: {  	s10 =	sld [smem:$0x3FB9]  }
0x39: {  	_ = 	snop;
	(pc) =	sbr.ind lr, $3  }
0x3a: {  	_ = 	snop  }
0x3b: {  	_ = 	snop  }
0x3c: {  	p2 =	seq.s32 s10, $0x1;
	s10 =	sld [smem:$0x3FB8]  }
0x3d: {  	_ =	shalt  }
0x3e: {  	_ =	shalt  }
0x3f: {  	_ =	shalt  }
0x40: {  	_ =	shalt  }
0x41: {  	_ =	shalt  }
0x42: {  	_ =	shalt  }
0x43: {  	_ =	shalt  }
0x44: {  	_ =	shalt  }
0x45: {  	_ =	shalt  }
0x46: {  	_ =	shalt  }
0x47: {  	_ =	shalt  }
0x48: {  	_ =	shalt  }
0x49: {  	_ =	shalt  }
0x4a: {  	_ =	shalt  }
0x4b: {  	_ =	shalt  }
0x4c: {  	_ =	shalt  }
0x4d: {  	_ =	shalt  }
0x4e: {  	_ =	shalt  }
0x4f: {  	_ =	shalt  }
0x50: {  	_ =	shalt  }
0x51: {  	_ =	shalt  }
0x52: {  	_ =	shalt  }
0x53: {  	_ =	shalt  }
0x54: {  	_ =	shalt  }
0x55: {  	_ =	shalt  }
0x56: {  	_ =	shalt  }
0x57: {  	_ =	shalt  }
0x58: {  	_ =	shalt  }
0x59: {  	_ =	shalt  }
0x5a: {  	_ =	shalt  }
0x5b: {  	_ =	shalt  }
0x5c: {  	_ =	shalt  }
0x5d: {  	_ =	shalt  }
0x5e: {  	_ =	shalt  }
0x5f: {  	_ =	shalt  }
0x60: {  	_ =	shalt  }
0x61: {  	_ =	shalt  }
0x62: {  	_ =	shalt  }
0x63: {  	_ =	shalt  }
0x64: {  	_ =	shalt  }
0x65: {  	_ =	shalt  }
0x66: {  	_ =	shalt  }
0x67: {  	_ =	shalt  }
0x68: {  	_ =	shalt  }
0x69: {  	_ =	shalt  }
0x6a: {  	_ =	shalt  }
0x6b: {  	_ =	shalt  }
0x6c: {  	_ =	shalt  }
0x6d: {  	_ =	shalt  }
0x6e: {  	_ =	shalt  }
0x6f: {  	_ =	shalt  }
0x70: {  	_ =	shalt  }
0x71: {  	_ =	shalt  }
0x72: {  	_ =	shalt  }
0x73: {  	_ =	shalt  }
0x74: {  	_ =	shalt  }
0x75: {  	_ =	shalt  }
0x76: {  	_ =	shalt  }
0x77: {  	_ =	shalt  }
0x78: {  	_ =	shalt  }
0x79: {  	_ =	shalt  }
0x7a: {  	_ =	shalt  }
0x7b: {  	_ =	shalt  }
0x7c: {  	_ =	shalt  }
0x7d: {  	_ =	shalt  }
0x7e: {  	_ =	shalt  }
0x7f: {  	_ =	shalt  }
0x80: {  	_ =	shalt  }
0x81: {  	_ =	shalt  }
0x82: {  	_ =	shalt  }
0x83: {  	_ =	shalt  }
0x84: {  	_ =	shalt  }
0x85: {  	_ =	shalt  }
0x86: {  	_ =	shalt  }
0x87: {  	_ =	shalt  }
.Lfunc_end0:
.L_simem_size_0:
called_computation.1_lowered:
.L_overlay_start_0:
0x88: {  	s2 =	sld [smem:$0x3FD9]  }
0x89: {  	s3 =	sld [smem:$0x3FFE];
	_ =	sdelay $0x1  }
0x8a: {  	s1 =	srdreg.scid  }
0x8b: {  	s0 =	sand.u32 $0x1, s1  }
0x8c: {  	s17 =	sshll.u32 s0, $0xA;
	s2 =	sadd.s32 s3, s2  }
0x8d: {  	s2 =	sadd.s32 s2, s17  }
0x8e: {  	[smem:$0x3FC4] =	sst s2  }
0x8f: {  	_ = 	snop  }
0x90: {  	s2 =	sld [smem:$0x3FD0];
	(tm) =	ssettm $0x1  }
0x91: {  	s18 =	sld [smem:$0x3FFB];
	_ =	sdelay $0x3  }
0x92: {  	_ =	strace s18  }
0x93: {  	s3 =	sld [smem:$0x3FFC];
	_ =	sdelay $0x3  }
0x94: {  	_ =	strace s3  }
0x95: {  	s3 =	sld [smem:$0x3FFD];
	_ =	sdelay $0x3  }
0x96: {  	_ =	strace s3  }
0x97: {  	_ =	strace $0x8FFFFFFF  }
0x98: {  	s19 =	sld [smem:$0x3FDB];
	_ =	sdelay $0x1  }
0x99: {  	s4 =	simm.s32 $_scs_section_size  }
0x9a: {  	s5 =	simm.s32 $_size__tile_overlayer_lowered;
	s6 =	simm.s32 $_tile_overlayer_lowered  }
0x9b: {  	s22 =	simm.s32 $0x1BFF;
	s21 =	sshll.u32 s6, $0x1;
	s3 =	sadd.s32 s4, s19  }
0x9c: {  	s7 =	simm.s32 $0x0;
	s20 =	sshll.u32 s5, $0x1;
	s5 =	sadd.s32 s21, s3  }
0x9d: {  	[timem:s7], [sflag:s22] =	dma.local [hbm:s5], s20  }
0x9e: {  	_ =	swait.ge [sflag:s22], s20  }
0x9f: {  	s4 =	ssub.s32 $0x0, s20;
	[sflag:s22] =	ssyncset.done $0x0  }
0xa0: {  	[sflag:s22] =	ssyncadd.s32 s4;
	_ =	sdelay $0x1  }
0xa1: {  	s23 =	simm.s32 $0x1B8B  }
0xa2: {  	_ =	swait.ge [sflag:s23], $0x1  }
0xa3: {  	[sflag:s23] =	ssyncset.done $0x0  }
0xa4: {  	s25 =	simm.s32 $0x1B8E;
	s24 =	sld [smem:$0x3FFE];
	[sflag:s23] =	ssyncadd.s32 $0xFFFFFFFF  }
0xa5: {  	s26 =	simm.s32 $execute0_lowered;
	[smem:$0x3FD2] =	sst s25  }
0xa6: {  	s5 =	sshll.u32 s26, $0x1;
	_ =	strace $0x80000049;
	[dreg:$0x1] =	wrdreg $0xFFFFFFFF  }
0xa7: {  	s28 =	simm.s32 $_size_execute0_lowered;
	s3 =	sadd.s32 s3, s5;
	[dreg:$0x0] =	wrdreg $0x0  }
0xa8: {  	s5 =	sshll.u32 s28, $0x1;
	[dreg:$0x2] =	wrdreg s3  }
0xa9: {  	[dreg:$0x3] =	wrdreg s5  }
0xaa: {  	[dreg:$0x4] =	wrdreg $0xC0  }
0xab: {  	_ =	task [dreg:s7], $0x5FFFF  }
0xac: {  	[dreg:$0x1] =	wrdreg $0xFFFFFFFF  }
0xad: {  	[dreg:$0x0] =	wrdreg $0x60  }
0xae: {  	[dreg:$0x2] =	wrdreg s2  }
0xaf: {  	[dreg:$0x3] =	wrdreg s24  }
0xb0: {  	[dreg:$0x4] =	wrdreg $0x44800  }
0xb1: {  	[dreg:$0x5] =	wrdreg $0x9  }
0xb2: {  	_ =	task.clear_ibuf [dreg:s7], $0x6FFFF;
	_ =	strace $0x90000049  }
0xb3: {  	s29 =	simm.s32 $0x9;
	_ =	strace $0x8000004B  }
0xb4: {  	_ =	swait.ge [sflag:s29], $0x1  }
0xb5: {  	[sflag:s29] =	ssyncadd.s32 $0xFFFFFFFF  }
0xb6: {  	_ =	strace $0x9000004B  }
0xb7: {  	_ =	sfence  }
0xb8: {  	s30 =	sld [smem:$0x0];
	_ =	sdelay $0x2  }
0xb9: {  	s31 =	sshll.u32 s1, $0xD;
	s1 =	sshrl.u32 s1, $0x2  }
0xba: {  	s3 =	sand.u32 $0x4000, s31;
	s1 =	sadd.s32 s1, s30  }
0xbb: {  	s0 =	sor.u32 s3, s0;
	s1 =	sshll.u32 s1, $0x11  }
0xbc: {  	s0 =	sor.u32 s1, s0  }
0xbd: {  	s0 =	sadd.s32 $0x8F2B, s0  }
0xbe: {  	[sflag:s0] =	ssyncadd.remote.s32 $0x1  }
0xbf: {  	_ =	sfence.sel $0xFFFF  }
0xc0: {  	[dreg:$0x0] =	wrdreg $0xFFFFFFFF;
	(pc) =	sbr.abs _section_cstart, $3  }
0xc1: {  	[dreg:$0x1] =	wrdreg $0xFFFFFFFF  }
0xc2: {  	_ =	task.clear_ibuf [dreg:s7], $0x2FFFF;
	_ =	strace $0x9FFFFFFF  }
0xc3: {  	(tm) =	ssettm $0x7FFFFFFF  }
tec
execute0_lowered:
.L_overlay_start_1:
0x0: {  	(tag) =	ssettag $0x1  }
0x1: {  	s1 =	rddreg [dreg:$0x0]  }
0x2: {  	s0 =	rddreg [dreg:$0x1]  }
0x3: {  	s3 =	rddreg [dreg:$0x2];
	s4 =	simm.s32 $0x0;
	s2 =	stileid.u32  }
0x4: {  	s6 =	srdreg.scid;
	s17 =	simm.s32 $0x2;
	s18 =	simm.s32 $0x280  }
0x5: {  	s19 =	simm.s32 $0x300;
	s20 =	simm.s32 $0x380;
	s21 =	simm.s32 $0x400  }
0x6: {  	s22 =	simm.s32 $0x80;
	s23 =	simm.s32 $0x480;
	s28 =	simm.s32 $0x180  }
0x7: {  	s29 =	simm.s32 $0x10;
	s30 =	simm.s32 $0x0;
	[smem:$0x7FF] =	sst s4  }
0x8: {  	s5 =	smul.u32 $0x278, s2;
	s15 =	sadd.s32 $0x1A00, s0;
	s14 =	sadd.s32 $0xB800, s0  }
0x9: {  	s7 =	sand.u32 $0x1, s6;
	s25 =	sshll.u32 s2, $0x1;
	s12 =	smul.u32 $0x4E20, s2  }
0xa: {  	_ =	strace $0x8000004A;
	s8 =	smul.u32 $0x27800, s7;
	s9 =	ssub.s32 $0x2, s7  }
0xb: {  	s6 =	sor.u32 s7, s25;
	s16 =	smul.u32 $0x2710, s7;
	s25 =	simm.s32 $0x100  }
0xc: {  	s5 =	sshrl.u32 s5, $0x3;
	s26 =	sshrl.u32 s9, $0x1;
	s11 =	smul.u32 $0x2710, s6  }
0xd: {  	s10 =	sadd.s32 s5, s0;
	s0 =	sadd.s32 s8, s0;
	s13 =	ssub.s32 s9, s26  }
0xe: {  	s12 =	sadd.s32 s16, s12;
	s26 =	simm.s32 $0x1;
	s31 =	sadd.s32 $0x15600, s10  }
0xf: {  	s6 =	sadd.s32 $0x15610, s10;
	s7 =	sadd.s32 $0x15620, s10;
	s8 =	sadd.s32 $0x15630, s10  }
0x10: {  	s11 =	sshrl.u32 s11, $0x3;
	s9 =	sadd.s32 $0x15640, s10;
	s16 =	sshrl.u32 s12, $0x3  }
0x11: {  	s12 =	sadd.s32 $0x8BE00, s0;
	s13 =	smax.u32 s13, $0x1;
	s11 =	sadd.s32 $0x4E0, s11  }
0x12: {  	[dreg:$0x4] =	wrdreg s31;
	s10 =	sadd.s32 s15, s11;
	s11 =	sadd.s32 s14, s11  }
0x13: {  	v0 =	vimm.f32 $0.0e+00;
	s14 =	sadd.s32 s16, s14;
	s15 =	sadd.s32 s16, s15;
	s16 =	simm.s32 $0x200  }
.LBB2_1:
0x14: {  	s0 =	rddreg [dreg:$0x4]  }
0x15: {  	[tilespmem:s16], [sflag:$0x2] =	stream.linear.gather [hbm4b:s0+s4], $0x80, $0x38;
	[tilespmem:$0x18080] =	vst v63  }
0x16: {  	_ =	swait.ge [sflag:s17], $0x80  }
0x17: {  	[sflag:s17] =	ssyncset.done $0x0  }
0x18: {  	[sflag:s17] =	ssyncadd.s32 $0xFFFFFF80  }
0x19: {  	[tilespmem:s18], [sflag:$0x2] =	stream.linear.gather [hbm4b:s6+s4], $0x80, $0x38;
	[tilespmem:$0x18080] =	vst v63  }
0x1a: {  	_ =	swait.ge [sflag:s17], $0x80  }
0x1b: {  	[sflag:s17] =	ssyncset.done $0x0  }
0x1c: {  	[sflag:s17] =	ssyncadd.s32 $0xFFFFFF80  }
0x1d: {  	[tilespmem:s19], [sflag:$0x2] =	stream.linear.gather [hbm4b:s7+s4], $0x80, $0x38;
	[tilespmem:$0x18080] =	vst v63  }
0x1e: {  	_ =	swait.ge [sflag:s17], $0x80  }
0x1f: {  	[sflag:s17] =	ssyncset.done $0x0  }
0x20: {  	[sflag:s17] =	ssyncadd.s32 $0xFFFFFF80  }
0x21: {  	[tilespmem:s20], [sflag:$0x2] =	stream.linear.gather [hbm4b:s8+s4], $0x80, $0x38;
	[tilespmem:$0x18080] =	vst v63  }
0x22: {  	_ =	swait.ge [sflag:s17], $0x80  }
0x23: {  	[sflag:s17] =	ssyncset.done $0x0  }
0x24: {  	[sflag:s17] =	ssyncadd.s32 $0xFFFFFF80  }
0x25: {  	[tilespmem:s21], [sflag:$0x2] =	stream.linear.gather [hbm4b:s9+s4], $0x78, $0x38;
	[tilespmem:$0x18080] =	vst v63  }
0x26: {  	_ =	swait.ge [sflag:s17], $0x78  }
0x27: {  	[sflag:s17] =	ssyncset.done $0x0  }
0x28: {  	s31 =	simm.s32 $0x0;
	s0 =	simm.s32 $0x200;
	[sflag:s17] =	ssyncadd.s32 $0xFFFFFF88  }
.LBB2_2:
0x29: {  	p0 =	sne.s32 s0, $0xFE00;
	[tilespmem:s31+$0x4F0] =	vst v0  }
0x2a: {  	[tilespmem:s31+$0x480] =	vst v0  }
0x2b: {  	[tilespmem:s31+$0x490] =	vst v0  }
.Ltmp0:
0x2c: {  	[tilespmem:s31+$0x4A0] =	vst v0;
	(pc) =	sbr.rel @p0 .LBB2_2-.Ltmp0, $4  }
0x2d: {  	[tilespmem:s31+$0x4B0] =	vst v0  }
0x2e: {  	[tilespmem:s31+$0x4C0] =	vst v0  }
0x2f: {  	[tilespmem:s31+$0x4D0] =	vst v0  }
0x30: {  	[tilespmem:s31+$0x4E0] =	vst v0;
	s31 =	sshra.s32 s0, $0x2;
	s0 =	sadd.s32 $0x200, s0  }
0x31: {  	[tilespmem:s31+$0x4F0] =	vst v0  }
0x32: {  	[tilespmem:s31+$0x480] =	vst v0  }
0x33: {  	[tilespmem:s31+$0x490] =	vst v0  }
0x34: {  	[tilespmem:s31+$0x4A0] =	vst v0  }
0x35: {  	[tilespmem:s31+$0x4B0] =	vst v0  }
0x36: {  	[tilespmem:s31+$0x4C0] =	vst v0  }
0x37: {  	[tilespmem:s31+$0x4D0] =	vst v0  }
0x38: {  	[tilespmem:s31+$0x4E0] =	vst v0  }
0x39: {  	[spmem:s3] =	stream.indirect.scatter [tilespmem:s23], [sflag:$0x2], $0x80, s16, s22, $0xb8;
	[tilespmem:$0x18080] =	vst v63  }
0x3a: {  	_ =	swait.ge [sflag:s17], $0x4000  }
0x3b: {  	[sflag:s17] =	ssyncset.done $0x0  }
0x3c: {  	[sflag:s17] =	ssyncadd.s32 $0xFFFFC000  }
0x3d: {  	[spmem:s3] =	stream.indirect.scatter [tilespmem:s23], [sflag:$0x2], $0x80, s18, s22, $0xb8;
	[tilespmem:$0x18080] =	vst v63  }
0x3e: {  	_ =	swait.ge [sflag:s17], $0x4000  }
0x3f: {  	[sflag:s17] =	ssyncset.done $0x0  }
0x40: {  	[sflag:s17] =	ssyncadd.s32 $0xFFFFC000  }
0x41: {  	[spmem:s3] =	stream.indirect.scatter [tilespmem:s23], [sflag:$0x2], $0x80, s19, s22, $0xb8;
	[tilespmem:$0x18080] =	vst v63  }
0x42: {  	_ =	swait.ge [sflag:s17], $0x4000  }
0x43: {  	[sflag:s17] =	ssyncset.done $0x0  }
0x44: {  	[sflag:s17] =	ssyncadd.s32 $0xFFFFC000  }
0x45: {  	[spmem:s3] =	stream.indirect.scatter [tilespmem:s23], [sflag:$0x2], $0x80, s20, s22, $0xb8;
	[tilespmem:$0x18080] =	vst v63  }
0x46: {  	_ =	swait.ge [sflag:s17], $0x4000  }
0x47: {  	[sflag:s17] =	ssyncset.done $0x0  }
0x48: {  	s0 =	simm.s32 $0x78;
	[sflag:s17] =	ssyncadd.s32 $0xFFFFC000  }
0x49: {  	[spmem:s3] =	stream.indirect.scatter [tilespmem:s23], [sflag:$0x2], $0x80, s21, s0, $0xb8;
	[tilespmem:$0x18080] =	vst v63  }
0x4a: {  	_ =	swait.ge [sflag:s17], $0x3C00  }
0x4b: {  	[sflag:s17] =	ssyncset.done $0x0  }
0x4c: {  	[sflag:s17] =	ssyncadd.s32 $0xFFFFC400  }
0x4d: {  	s5 =	sadd.s32 $0x0, s15;
	[bflag:$0x0] =	sbarrier.arrive $0xFFFF  }
0x4e: {  	[tilespmem:s4], [sflag:$0x2] =	stream.linear.gather [hbm4b:s5+s4], $0x80, $0x38;
	[tilespmem:$0x18080] =	vst v63  }
0x4f: {  	_ =	swait.ge [sflag:s17], $0x80  }
0x50: {  	[sflag:s17] =	ssyncset.done $0x0  }
0x51: {  	s24 =	sadd.s32 $0x0, s14;
	[sflag:s17] =	ssyncadd.s32 $0xFFFFFF80  }
0x52: {  	[tilespmem:s25], [sflag:$0x2] =	stream.linear.gather [hbm4b:s24+s4], $0x80, $0x38;
	[tilespmem:$0x18080] =	vst v63  }
0x53: {  	_ =	swait.ge [sflag:s17], $0x80  }
0x54: {  	[sflag:s17] =	ssyncset.done $0x0  }
0x55: {  	[sflag:s17] =	ssyncadd.s32 $0xFFFFFF80  }
0x56: {  	[tilespmem:s23], [sflag:$0x1] =	stream.indirect.gather [hbm4b:s1+s22], $0x80, s4, s22, $0xb8;
	[tilespmem:$0x18080] =	vst v63  }
0x57: {  	_ =	swait.ge [sflag:s26], $0x4000  }
0x58: {  	[sflag:s26] =	ssyncset.done $0x0  }
0x59: {  	[sflag:s26] =	ssyncadd.s32 $0xFFFFC000  }
0x5a: {  	[spmem:s3] =	stream.indirect.scatter.add.f32 [tilespmem:s23], [sflag:$0x2], $0x80, s25, s22, $0xb8;
	[tilespmem:$0x18080] =	vst v63  }
0x5b: {  	_ =	swait.ge [sflag:s17], $0x4000  }
0x5c: {  	s31 =	simm.s32 $0x10;
	s0 =	simm.s32 $0x20;
	[sflag:s17] =	ssyncset.done $0x0  }
.LBB2_4:
0x5d: {  	s2 =	sadd.s32 s31, s15  }
0x5e: {  	[sflag:s17] =	ssyncadd.s32 $0xFFFFC000;
	s24 =	smov.u32 s0;
	s5 =	sadd.s32 $0x10, s0  }
0x5f: {  	[tilespmem:s4], [sflag:$0x2] =	stream.linear.gather [hbm4b:s2+s4], $0x80, $0x38;
	[tilespmem:$0x18080] =	vst v63  }
0x60: {  	p0 =	sne.s32 s0, $0x4D0;
	_ =	swait.ge [sflag:s17], $0x80  }
0x61: {  	[sflag:s17] =	ssyncset.done $0x0  }
0x62: {  	s0 =	sadd.s32 s31, s14;
	s31 =	smov.u32 s24;
	[sflag:s17] =	ssyncadd.s32 $0xFFFFFF80  }
0x63: {  	[tilespmem:s25], [sflag:$0x2] =	stream.linear.gather [hbm4b:s0+s4], $0x80, $0x38;
	[tilespmem:$0x18080] =	vst v63  }
0x64: {  	_ =	swait.ge [sflag:s17], $0x80  }
0x65: {  	[sflag:s17] =	ssyncset.done $0x0  }
0x66: {  	[sflag:s17] =	ssyncadd.s32 $0xFFFFFF80  }
0x67: {  	[tilespmem:s23], [sflag:$0x1] =	stream.indirect.gather [hbm4b:s1+s22], $0x80, s4, s22, $0xb8;
	[tilespmem:$0x18080] =	vst v63  }
0x68: {  	_ =	swait.ge [sflag:s26], $0x4000  }
.Ltmp1:
0x69: {  	[sflag:s26] =	ssyncset.done $0x0;
	(pc) =	sbr.rel @p0 .LBB2_4-.Ltmp1, $4  }
0x6a: {  	[sflag:s26] =	ssyncadd.s32 $0xFFFFC000  }
0x6b: {  	[spmem:s3] =	stream.indirect.scatter.add.f32 [tilespmem:s23], [sflag:$0x2], $0x80, s25, s22, $0xb8;
	[tilespmem:$0x18080] =	vst v63  }
0x6c: {  	_ =	swait.ge [sflag:s17], $0x4000  }
0x6d: {  	s0 =	smov.u32 s5;
	[sflag:s17] =	ssyncset.done $0x0  }
0x6e: {  	s0 =	sadd.s32 s31, s15;
	[sflag:s17] =	ssyncadd.s32 $0xFFFFC000  }
0x6f: {  	[tilespmem:s4], [sflag:$0x2] =	stream.linear.gather [hbm4b:s0+s4], $0x80, $0x38;
	[tilespmem:$0x18080] =	vst v63  }
0x70: {  	_ =	swait.ge [sflag:s17], $0x80  }
0x71: {  	[sflag:s17] =	ssyncset.done $0x0  }
0x72: {  	s24 =	sadd.s32 s31, s14;
	[sflag:s17] =	ssyncadd.s32 $0xFFFFFF80  }
0x73: {  	[tilespmem:s25], [sflag:$0x2] =	stream.linear.gather [hbm4b:s24+s4], $0x80, $0x38;
	[tilespmem:$0x18080] =	vst v63  }
0x74: {  	_ =	swait.ge [sflag:s17], $0x80  }
0x75: {  	[sflag:s17] =	ssyncset.done $0x0  }
0x76: {  	[sflag:s17] =	ssyncadd.s32 $0xFFFFFF80  }
0x77: {  	[tilespmem:s23], [sflag:$0x1] =	stream.indirect.gather [hbm4b:s1+s22], $0x80, s4, s22, $0xb8;
	[tilespmem:$0x18080] =	vst v63  }
0x78: {  	_ =	swait.ge [sflag:s26], $0x4000  }
0x79: {  	[sflag:s26] =	ssyncset.done $0x0  }
0x7a: {  	[sflag:s26] =	ssyncadd.s32 $0xFFFFC000  }
0x7b: {  	[spmem:s3] =	stream.indirect.scatter.add.f32 [tilespmem:s23], [sflag:$0x2], $0x80, s25, s22, $0xb8;
	[tilespmem:$0x18080] =	vst v63  }
0x7c: {  	_ =	swait.ge [sflag:s17], $0x4000  }
0x7d: {  	[sflag:s17] =	ssyncset.done $0x0  }
0x7e: {  	[sflag:s17] =	ssyncadd.s32 $0xFFFFC000  }
0x7f: {  	[tilespmem:s22], [sflag:$0x2] =	stream.linear.gather [hbm4b:s10+s4], $0x10, $0x38;
	[tilespmem:$0x18080] =	vst v63  }
0x80: {  	_ =	swait.ge [sflag:s17], $0x10  }
0x81: {  	[sflag:s17] =	ssyncset.done $0x0  }
0x82: {  	[sflag:s17] =	ssyncadd.s32 $0xFFFFFFF0  }
0x83: {  	[tilespmem:s28], [sflag:$0x2] =	stream.linear.gather [hbm4b:s11+s4], $0x10, $0x38;
	[tilespmem:$0x18080] =	vst v63  }
0x84: {  	_ =	swait.ge [sflag:s17], $0x10  }
0x85: {  	[sflag:s17] =	ssyncset.done $0x0  }
0x86: {  	[sflag:s17] =	ssyncadd.s32 $0xFFFFFFF0  }
0x87: {  	[tilespmem:s23], [sflag:$0x1] =	stream.indirect.gather [hbm4b:s1+s29], $0x80, s22, s29, $0xb8;
	[tilespmem:$0x18080] =	vst v63  }
0x88: {  	_ =	swait.ge [sflag:s26], $0x800  }
0x89: {  	[sflag:s26] =	ssyncset.done $0x0  }
0x8a: {  	[sflag:s26] =	ssyncadd.s32 $0xFFFFF800  }
0x8b: {  	[spmem:s3] =	stream.indirect.scatter.add.f32 [tilespmem:s23], [sflag:$0x2], $0x80, s28, s29, $0xb8;
	[tilespmem:$0x18080] =	vst v63  }
0x8c: {  	s31 =	stileid.u32;
	_ =	swait.ge [sflag:s17], $0x800  }
0x8d: {  	s2 =	sshrl.u32 s3, $0x3;
	s30 =	sadd.s32 $0x1, s30;
	[sflag:s17] =	ssyncset.done $0x0  }
0x8e: {  	s0 =	sshll.u32 s31, $0x6;
	p0 =	sne.s32 s30, s13;
	[sflag:s17] =	ssyncadd.s32 $0xFFFFF800  }
.Ltmp2:
0x8f: {  	s0 =	sor.u32 $0x1C02, s0;
	[bflag:$0x0] =	sbarrier.arrive $0xFFFF;
	(pc) =	sbr.rel @p0 .LBB2_1-.Ltmp2, $4  }
0x90: {  	[hbm:s12], [sflag:s0] =	dma.local [spmem:s2], $0x27800  }
0x91: {  	_ =	swait.ge [sflag:s17], $0x27800  }
0x92: {  	[sflag:s17] =	ssyncset.done $0x0  }
0x93: {  	[sflag:s17] =	ssyncadd.s32 $0xFFFD8800  }
0x94: {  	_ =	sfence.sel $0x180000  }
0x95: {  	[bflag:$0x0] =	sbarrier.arrive $0xFFFF  }
0x96: {  	_ =	strace $0x9000004A  }
0x97: {  	s0 =	stileid.u32;
	[bflag:$0x2] =	sbarrier.arrive $0xFFFF  }
0x98: {  	p0 =	sne.s32 s0, $0x0;
	s0 =	rddreg [dreg:$0x3]  }
0x99: {  	s0 =	sadd.s32 @!p0 $0x100000, s0  }
0x9a: {  	[sflag:s0] =	ssyncadd.tile.s32 @!p0 $0x1;
	_ =	shalt  }
.Lfunc_end2:
_tile_overlayer_lowered:
.L_overlay_start_2:
0x9b: {  	(tag) =	ssettag $0x2  }
0x9c: {  	s0 =	rddreg [dreg:$0x0];
	s2 =	stileid.u32  }
0x9d: {  	s1 =	rddreg [dreg:$0x1];
	p0 =	sne.s32 s2, $0x0  }
0x9e: {  	s3 =	rddreg [dreg:$0x2];
	[bflag:$0x3] =	sbarrier.arrive $0xFFFF;
	s2 =	simm.s32 @!p0 $0x1C02  }
0x9f: {  	[timem:s3], [sflag:s2] =	dma.local @!p0 [hbm:s0], s1  }
0xa0: {  	s0 =	simm.s32 @!p0 $0x2  }
0xa1: {  	_ =	swait.ge @!p0 [sflag:s0], s1  }
0xa2: {  	s1 =	ssub.s32 @!p0 $0x0, s1;
	[sflag:s0] =	ssyncset.done @!p0 $0x0  }
0xa3: {  	[sflag:s0] =	ssyncadd.s32 @!p0 s1  }
0xa4: {  	[bflag:$0x3] =	sbarrier.arrive $0xFFFF  }
0xa5: {  	_ =	shalt  }

// kernel: kernel.7.cloned.1.call-start
scs
__scs_entry_jumppad:
0x0: {  	(pc) =	sbr.rel $0x88, $3  }
0x1: {  	(tag) =	ssettag $0x0;
	lr =	simm.s32 $0x1  }
0x2: {  	[smem:$0x3F9D] =	sst lr;
	_ =	strace $0xD0000000  }
0x3: {  	_ = 	snop  }
0x4: {  	_ = 	snop  }
0x5: {  	_ = 	snop  }
0x6: {  	_ = 	snop  }
0x7: {  	_ = 	snop  }
__scs_overlays_trampoline_lowered:
0x8: {  	[smem:$0x3FAC] =	sst s0  }
0x9: {  	[smem:$0x3FAD] =	sst s1  }
0xa: {  	[smem:$0x3FAE] =	sst s2  }
0xb: {  	[smem:$0x3FAF] =	sst s3  }
0xc: {  	[smem:$0x3FB0] =	sst s4  }
0xd: {  	[smem:$0x3FB1] =	sst s5  }
0xe: {  	[smem:$0x3FB2] =	sst s6  }
0xf: {  	[smem:$0x3FB3] =	sst s7  }
0x10: {  	[smem:$0x3FB4] =	sst s8  }
0x11: {  	[smem:$0x3FB5] =	sst s9;
	s0 =	simm.s32 @!p0 $0x0  }
0x12: {  	s1 =	sld [smem:$0x3F9B];
	s0 =	simm.s32 @p0 $0x1  }
0x13: {  	[smem:$0x3FB6] =	sst s0;
	s0 =	simm.s32 @!p1 $0x0  }
0x14: {  	s2 =	sld [smem:$0x3F9A];
	s0 =	simm.s32 @p1 $0x1  }
0x15: {  	[smem:$0x3FB7] =	sst s0;
	s0 =	simm.s32 @!p2 $0x0  }
0x16: {  	s3 =	sld [smem:$0x3FDB];
	s0 =	simm.s32 @p2 $0x1  }
0x17: {  	s4 =	simm.s32 $0x1BF5;
	[smem:$0x3FB9] =	sst s0  }
0x18: {  	s0 =	sld [smem:$0x3F9C];
	_ =	swait.ge [sflag:s4], $0x0  }
0x19: {  	s7 =	sld [smem:$0x3F9D]  }
0x1a: {  	s8 =	sadd.s32 $0xFFFFE003, lr  }
0x1b: {  	s9 =	sadd.s32 $0xFFFFFEF7, lr;
	s5 =	simm.s32 $0xFFFFFFFF;
	p2 =	slt.u32 s8, $0xFFFFF086  }
0x1c: {  	p1 =	slt.u32 s9, $0xF7A;
	s5 =	simm.s32 @!p2 $0x0  }
0x1d: {  	s5 =	simm.s32 @p1 $0x1;
	p0 =	seq.s32 s7, s2  }
0x1e: {  	s7 =	smul.u32 @!p0 $0xF7A, s2;
	p2 =	seq.s32 @!p0 s5, $0x0  }
0x1f: {  	s9 =	smul.u32 $0xF7A, s1;
	s8 =	simm.s32 @!p0 $0x1BF5;
	p2 =	por !p2, p0  }
0x20: {  	[sflag:s8] =	ssyncset.s32 @!p0 $0xFFFFF086;
	s6 =	sadd.s32 @!p0 s3, s7;
	s7 =	simm.s32 @!p0 $0x108  }
0x21: {  	s3 =	sadd.s32 s3, s9;
	s6 =	sadd.s32 @!p0 $0x88, s6;
	s7 =	simm.s32 @p2 $0x1082  }
0x22: {  	[simem:s7], [sflag:s8] =	dma.local @!p0 [hbm:s6], $0xF7A  }
0x23: {  	s9 =	sor.u32 $0xD0000000, s2;
	s6 =	simm.s32 $0x108;
	_ =	swait.ge @!p0 [sflag:s8], $0x0  }
0x24: {  	s3 =	sadd.s32 $0x88, s3;
	s6 =	simm.s32 @!p1 $0x1082;
	[sflag:s4] =	ssyncset.s32 $0xFFFFF086  }
0x25: {  	[simem:s6], [sflag:s4] =	dma.local [hbm:s3], $0xF7A  }
0x26: {  	[smem:$0x3F9D] =	sst s1;
	(tag) =	ssettag s2;
	_ =	strace s9  }
0x27: {  	s1 =	sld [smem:$0x3FAD]  }
0x28: {  	s2 =	sld [smem:$0x3FAE]  }
0x29: {  	s4 =	sld [smem:$0x3FB0]  }
0x2a: {  	p0 =	seq.s32 s5, $0x0;
	s5 =	sld [smem:$0x3FB1]  }
0x2b: {  	s6 =	sld [smem:$0x3FB2]  }
0x2c: {  	s7 =	sld [smem:$0x3FB3]  }
0x2d: {  	s3 =	simm.s32 $0x108;
	s8 =	sld [smem:$0x3FB4]  }
0x2e: {  	s3 =	simm.s32 @!p0 $0x1082;
	s9 =	sld [smem:$0x3FB5]  }
0x2f: {  	lr =	sadd.s32 s0, s3;
	s0 =	sld [smem:$0x3FAC]  }
0x30: {  	s3 =	sld [smem:$0x3FAF]  }
0x31: {  	[smem:$0x3FB8] =	sst s10  }
0x32: {  	s10 =	sld [smem:$0x3FB6];
	_ =	sdelay $0x3  }
0x33: {  	p0 =	seq.s32 s10, $0x1;
	s10 =	sld [smem:$0x3FB8];
	_ =	sdelay $0x3  }
0x34: {  	[smem:$0x3FB8] =	sst s10  }
0x35: {  	s10 =	sld [smem:$0x3FB7];
	_ =	sdelay $0x3  }
0x36: {  	p1 =	seq.s32 s10, $0x1;
	s10 =	sld [smem:$0x3FB8];
	_ =	sdelay $0x3  }
0x37: {  	[smem:$0x3FB8] =	sst s10  }
0x38: {  	s10 =	sld [smem:$0x3FB9]  }
0x39: {  	_ = 	snop;
	(pc) =	sbr.ind lr, $3  }
0x3a: {  	_ = 	snop  }
0x3b: {  	_ = 	snop  }
0x3c: {  	p2 =	seq.s32 s10, $0x1;
	s10 =	sld [smem:$0x3FB8]  }
0x3d: {  	_ =	shalt  }
0x3e: {  	_ =	shalt  }
0x3f: {  	_ =	shalt  }
0x40: {  	_ =	shalt  }
0x41: {  	_ =	shalt  }
0x42: {  	_ =	shalt  }
0x43: {  	_ =	shalt  }
0x44: {  	_ =	shalt  }
0x45: {  	_ =	shalt  }
0x46: {  	_ =	shalt  }
0x47: {  	_ =	shalt  }
0x48: {  	_ =	shalt  }
0x49: {  	_ =	shalt  }
0x4a: {  	_ =	shalt  }
0x4b: {  	_ =	shalt  }
0x4c: {  	_ =	shalt  }
0x4d: {  	_ =	shalt  }
0x4e: {  	_ =	shalt  }
0x4f: {  	_ =	shalt  }
0x50: {  	_ =	shalt  }
0x51: {  	_ =	shalt  }
0x52: {  	_ =	shalt  }
0x53: {  	_ =	shalt  }
0x54: {  	_ =	shalt  }
0x55: {  	_ =	shalt  }
0x56: {  	_ =	shalt  }
0x57: {  	_ =	shalt  }
0x58: {  	_ =	shalt  }
0x59: {  	_ =	shalt  }
0x5a: {  	_ =	shalt  }
0x5b: {  	_ =	shalt  }
0x5c: {  	_ =	shalt  }
0x5d: {  	_ =	shalt  }
0x5e: {  	_ =	shalt  }
0x5f: {  	_ =	shalt  }
0x60: {  	_ =	shalt  }
0x61: {  	_ =	shalt  }
0x62: {  	_ =	shalt  }
0x63: {  	_ =	shalt  }
0x64: {  	_ =	shalt  }
0x65: {  	_ =	shalt  }
0x66: {  	_ =	shalt  }
0x67: {  	_ =	shalt  }
0x68: {  	_ =	shalt  }
0x69: {  	_ =	shalt  }
0x6a: {  	_ =	shalt  }
0x6b: {  	_ =	shalt  }
0x6c: {  	_ =	shalt  }
0x6d: {  	_ =	shalt  }
0x6e: {  	_ =	shalt  }
0x6f: {  	_ =	shalt  }
0x70: {  	_ =	shalt  }
0x71: {  	_ =	shalt  }
0x72: {  	_ =	shalt  }
0x73: {  	_ =	shalt  }
0x74: {  	_ =	shalt  }
0x75: {  	_ =	shalt  }
0x76: {  	_ =	shalt  }
0x77: {  	_ =	shalt  }
0x78: {  	_ =	shalt  }
0x79: {  	_ =	shalt  }
0x7a: {  	_ =	shalt  }
0x7b: {  	_ =	shalt  }
0x7c: {  	_ =	shalt  }
0x7d: {  	_ =	shalt  }
0x7e: {  	_ =	shalt  }
0x7f: {  	_ =	shalt  }
0x80: {  	_ =	shalt  }
0x81: {  	_ =	shalt  }
0x82: {  	_ =	shalt  }
0x83: {  	_ =	shalt  }
0x84: {  	_ =	shalt  }
0x85: {  	_ =	shalt  }
0x86: {  	_ =	shalt  }
0x87: {  	_ =	shalt  }
.Lfunc_end0:
.L_simem_size_0:
called_computation_lowered:
.L_overlay_start_0:
0x88: {  	s2 =	sld [smem:$0x3FD9]  }
0x89: {  	s3 =	sld [smem:$0x3FFE];
	_ =	sdelay $0x1  }
0x8a: {  	s1 =	srdreg.scid  }
0x8b: {  	s0 =	sand.u32 $0x1, s1  }
0x8c: {  	s16 =	sshll.u32 s0, $0xA;
	s2 =	sadd.s32 s3, s2  }
0x8d: {  	s2 =	sadd.s32 s2, s16  }
0x8e: {  	[smem:$0x3FC4] =	sst s2  }
0x8f: {  	_ = 	snop  }
0x90: {  	(tm) =	ssettm $0x1  }
0x91: {  	s17 =	sld [smem:$0x3FFB];
	_ =	sdelay $0x3  }
0x92: {  	_ =	strace s17  }
0x93: {  	s2 =	sld [smem:$0x3FFC];
	_ =	sdelay $0x3  }
0x94: {  	_ =	strace s2  }
0x95: {  	s2 =	sld [smem:$0x3FFD];
	_ =	sdelay $0x3  }
0x96: {  	_ =	strace s2  }
0x97: {  	_ =	strace $0x8FFFFFFF  }
0x98: {  	s18 =	sld [smem:$0x3FDB];
	_ =	sdelay $0x1  }
0x99: {  	s19 =	simm.s32 $_scs_section_size  }
0x9a: {  	s4 =	simm.s32 $_size__tile_overlayer_lowered;
	s5 =	simm.s32 $_tile_overlayer_lowered  }
0x9b: {  	s22 =	simm.s32 $0x1BFF;
	s21 =	sshll.u32 s5, $0x1;
	s2 =	sadd.s32 s19, s18  }
0x9c: {  	s6 =	simm.s32 $0x0;
	s20 =	sshll.u32 s4, $0x1;
	s4 =	sadd.s32 s21, s2  }
0x9d: {  	[timem:s6], [sflag:s22] =	dma.local [hbm:s4], s20  }
0x9e: {  	_ =	swait.ge [sflag:s22], s20  }
0x9f: {  	s3 =	ssub.s32 $0x0, s20;
	[sflag:s22] =	ssyncset.done $0x0  }
0xa0: {  	[sflag:s22] =	ssyncadd.s32 s3;
	_ =	sdelay $0x1  }
0xa1: {  	s23 =	simm.s32 $0x1B8B  }
0xa2: {  	_ =	swait.ge [sflag:s23], $0x1  }
0xa3: {  	[sflag:s23] =	ssyncset.done $0x0  }
0xa4: {  	s25 =	simm.s32 $0x1B8E;
	s24 =	sld [smem:$0x3FFE];
	[sflag:s23] =	ssyncadd.s32 $0xFFFFFFFF  }
0xa5: {  	s26 =	simm.s32 $execute0_lowered;
	[smem:$0x3FD2] =	sst s25  }
0xa6: {  	s4 =	sshll.u32 s26, $0x1;
	_ =	strace $0x80000046;
	[dreg:$0x1] =	wrdreg $0xFFFFFFFF  }
0xa7: {  	s28 =	simm.s32 $_size_execute0_lowered;
	s2 =	sadd.s32 s2, s4;
	[dreg:$0x0] =	wrdreg $0x0  }
0xa8: {  	s4 =	sshll.u32 s28, $0x1;
	[dreg:$0x2] =	wrdreg s2  }
0xa9: {  	[dreg:$0x3] =	wrdreg s4  }
0xaa: {  	[dreg:$0x4] =	wrdreg $0xC0  }
0xab: {  	_ =	task [dreg:s6], $0x5FFFF  }
0xac: {  	[dreg:$0x1] =	wrdreg $0xFFFFFFFF  }
0xad: {  	[dreg:$0x0] =	wrdreg $0x60  }
0xae: {  	[dreg:$0x2] =	wrdreg s24  }
0xaf: {  	[dreg:$0x3] =	wrdreg $0x41000  }
0xb0: {  	[dreg:$0x4] =	wrdreg $0x9  }
0xb1: {  	_ =	task.clear_ibuf [dreg:s6], $0x5FFFF;
	_ =	strace $0x90000046  }
0xb2: {  	s29 =	simm.s32 $0x9;
	_ =	strace $0x80000048  }
0xb3: {  	_ =	swait.ge [sflag:s29], $0x1  }
0xb4: {  	[sflag:s29] =	ssyncadd.s32 $0xFFFFFFFF  }
0xb5: {  	_ =	strace $0x90000048  }
0xb6: {  	_ =	sfence  }
0xb7: {  	s30 =	sld [smem:$0x0];
	_ =	sdelay $0x2  }
0xb8: {  	s31 =	sshll.u32 s1, $0xD;
	s1 =	sshrl.u32 s1, $0x2  }
0xb9: {  	s3 =	sand.u32 $0x4000, s31;
	s1 =	sadd.s32 s1, s30  }
0xba: {  	s0 =	sor.u32 s3, s0;
	s1 =	sshll.u32 s1, $0x11  }
0xbb: {  	s0 =	sor.u32 s1, s0  }
0xbc: {  	s0 =	sadd.s32 $0x8F2B, s0  }
0xbd: {  	[sflag:s0] =	ssyncadd.remote.s32 $0x1  }
0xbe: {  	_ =	sfence.sel $0xFFFF  }
0xbf: {  	[dreg:$0x0] =	wrdreg $0xFFFFFFFF;
	(pc) =	sbr.abs _section_cstart, $3  }
0xc0: {  	[dreg:$0x1] =	wrdreg $0xFFFFFFFF  }
0xc1: {  	_ =	task.clear_ibuf [dreg:s6], $0x2FFFF;
	_ =	strace $0x9FFFFFFF  }
0xc2: {  	(tm) =	ssettm $0x7FFFFFFF  }
0xc3: {  	_ =	shalt  }
tec
execute0_lowered:
.L_overlay_start_1:
0x0: {  	(tag) =	ssettag $0x1  }
0x1: {  	s5 =	rddreg [dreg:$0x0]  }
0x2: {  	s2 =	rddreg [dreg:$0x1]  }
0x3: {  	s0 =	rddreg [dreg:$0x2];
	s4 =	srdreg.scid  }
0x4: {  	s1 =	stileid.u32;
	s3 =	simm.s32 $0x0;
	s13 =	simm.s32 $0x100  }
0x5: {  	s14 =	simm.s32 $0x10;
	s15 =	simm.s32 $0x0;
	s6 =	sand.u32 $0x1, s4  }
0x6: {  	s28 =	sshll.u32 s1, $0x1;
	[smem:$0x7FF] =	sst s3;
	s11 =	smul.u32 $0x4E20, s1  }
0x7: {  	s9 =	sadd.s32 $0xB800, s5;
	s30 =	sshll.u32 s1, $0x6;
	s7 =	smul.u32 $0x27800, s6  }
0x8: {  	s4 =	sor.u32 s6, s28;
	s10 =	ssub.s32 $0x2, s6;
	s6 =	smul.u32 $0x2710, s6  }
0x9: {  	_ =	strace $0x80000047;
	s8 =	smul.u32 $0x2710, s4;
	s12 =	sshrl.u32 s10, $0x1  }
0xa: {  	s4 =	sadd.s32 $0x15600, s5;
	s7 =	sadd.s32 s7, s5;
	s10 =	ssub.s32 s10, s12  }
0xb: {  	s11 =	sadd.s32 s6, s11;
	s5 =	sor.u32 $0x1C01, s30;
	s12 =	simm.s32 $0x80  }
0xc: {  	s29 =	sshrl.u32 s8, $0x3;
	s11 =	sshrl.u32 s11, $0x3;
	s7 =	sadd.s32 $0x3CE00, s7  }
0xd: {  	s8 =	smax.u32 s10, $0x1;
	s10 =	sshrl.u32 s2, $0x3;
	s31 =	sadd.s32 s9, s29  }
0xe: {  	v0 =	vimm.f32 $1.000000000e+00;
	s9 =	sadd.s32 s11, s9;
	s11 =	simm.s32 $0x1;
	s6 =	sadd.s32 $0x4E0, s31  }
.LBB2_1:
0xf: {  	s16 =	simm.s32 $0x200;
	s17 =	simm.s32 $0x0  }
.LBB2_2:
0x10: {  	p0 =	sne.s32 s16, $0xFE00;
	[tilespmem:s17+$0x100] =	vst v0;
	s17 =	smov.u32 s16;
	s16 =	sadd.s32 $0x200, s16  }
.Ltmp0:
0x11: {  	(pc) =	sbr.rel @p0 .LBB2_2-.Ltmp0, $2  }
0x12: {  	_ =	sdelay $0x2  }
0x13: {  	s17 =	sshra.s32 s17, $0x2  }
0x14: {  	[tilespmem:s17+$0x100] =	vst v0  }
0x15: {  	[spmem:s10], [sflag:s5] =	dma.local [hbm:s4], $0x27800  }
0x16: {  	_ =	swait.ge [sflag:s11], $0x27800  }
0x17: {  	[sflag:s11] =	ssyncset.done $0x0  }
0x18: {  	[sflag:s11] =	ssyncadd.s32 $0xFFFD8800  }
0x19: {  	s16 =	sadd.s32 $0x0, s9;
	[bflag:$0x0] =	sbarrier.arrive $0xFFFF  }
0x1a: {  	[tilespmem:s3], [sflag:$0x1] =	stream.linear.gather [hbm4b:s16+s3], $0x80, $0x38;
	[tilespmem:$0x6880] =	vst v63  }
0x1b: {  	_ =	swait.ge [sflag:s11], $0x80  }
0x1c: {  	[sflag:s11] =	ssyncset.done $0x0  }
0x1d: {  	[sflag:s11] =	ssyncadd.s32 $0xFFFFFF80  }
0x1e: {  	[spmem:s2] =	stream.indirect.scatter.add.f32 [tilespmem:s13], [sflag:$0x1], $0x10, s3, s12, $0xb8;
	[tilespmem:$0x6880] =	vst v63  }
0x1f: {  	_ =	swait.ge [sflag:s11], $0x800  }
0x20: {  	s17 =	simm.s32 $0x20;
	s16 =	simm.s32 $0x10;
	[sflag:s11] =	ssyncset.done $0x0  }
.LBB2_4:
0x21: {  	s18 =	sadd.s32 s16, s9  }
0x22: {  	[sflag:s11] =	ssyncadd.s32 $0xFFFFF800;
	s16 =	smov.u32 s17;
	s19 =	sadd.s32 $0x10, s17  }
0x23: {  	[tilespmem:s3], [sflag:$0x1] =	stream.linear.gather [hbm4b:s18+s3], $0x80, $0x38;
	[tilespmem:$0x6880] =	vst v63  }
0x24: {  	p0 =	sne.s32 s17, $0x4D0;
	_ =	swait.ge [sflag:s11], $0x80  }
.Ltmp1:
0x25: {  	[sflag:s11] =	ssyncset.done $0x0;
	(pc) =	sbr.rel @p0 .LBB2_4-.Ltmp1, $4  }
0x26: {  	[sflag:s11] =	ssyncadd.s32 $0xFFFFFF80  }
0x27: {  	[spmem:s2] =	stream.indirect.scatter.add.f32 [tilespmem:s13], [sflag:$0x1], $0x10, s3, s12, $0xb8;
	[tilespmem:$0x6880] =	vst v63  }
0x28: {  	_ =	swait.ge [sflag:s11], $0x800  }
0x29: {  	s17 =	smov.u32 s19;
	[sflag:s11] =	ssyncset.done $0x0  }
0x2a: {  	s16 =	sadd.s32 s16, s9;
	[sflag:s11] =	ssyncadd.s32 $0xFFFFF800  }
0x2b: {  	[tilespmem:s3], [sflag:$0x1] =	stream.linear.gather [hbm4b:s16+s3], $0x80, $0x38;
	[tilespmem:$0x6880] =	vst v63  }
0x2c: {  	_ =	swait.ge [sflag:s11], $0x80  }
0x2d: {  	[sflag:s11] =	ssyncset.done $0x0  }
0x2e: {  	[sflag:s11] =	ssyncadd.s32 $0xFFFFFF80  }
0x2f: {  	[spmem:s2] =	stream.indirect.scatter.add.f32 [tilespmem:s13], [sflag:$0x1], $0x10, s3, s12, $0xb8;
	[tilespmem:$0x6880] =	vst v63  }
0x30: {  	_ =	swait.ge [sflag:s11], $0x800  }
0x31: {  	[sflag:s11] =	ssyncset.done $0x0  }
0x32: {  	[sflag:s11] =	ssyncadd.s32 $0xFFFFF800  }
0x33: {  	[tilespmem:s12], [sflag:$0x1] =	stream.linear.gather [hbm4b:s6+s3], $0x10, $0x38;
	[tilespmem:$0x6880] =	vst v63  }
0x34: {  	_ =	swait.ge [sflag:s11], $0x10  }
0x35: {  	[sflag:s11] =	ssyncset.done $0x0  }
0x36: {  	[sflag:s11] =	ssyncadd.s32 $0xFFFFFFF0  }
0x37: {  	[spmem:s2] =	stream.indirect.scatter.add.f32 [tilespmem:s13], [sflag:$0x1], $0x10, s12, s14, $0xb8;
	[tilespmem:$0x6880] =	vst v63  }
0x38: {  	_ =	swait.ge [sflag:s11], $0x100  }
0x39: {  	s15 =	sadd.s32 $0x1, s15;
	[sflag:s11] =	ssyncset.done $0x0  }
0x3a: {  	p0 =	sne.s32 s15, s8;
	[sflag:s11] =	ssyncadd.s32 $0xFFFFFF00  }
.Ltmp2:
0x3b: {  	[bflag:$0x0] =	sbarrier.arrive $0xFFFF;
	(pc) =	sbr.rel @p0 .LBB2_1-.Ltmp2, $4  }
0x3c: {  	[hbm:s7], [sflag:s5] =	dma.local [spmem:s10], $0x27800  }
0x3d: {  	_ =	swait.ge [sflag:s11], $0x27800  }
0x3e: {  	[sflag:s11] =	ssyncset.done $0x0  }
0x3f: {  	[sflag:s11] =	ssyncadd.s32 $0xFFFD8800  }
0x40: {  	_ =	sfence.sel $0x180000  }
0x41: {  	[bflag:$0x0] =	sbarrier.arrive $0xFFFF  }
0x42: {  	p0 =	sne.s32 s1, $0x0;
	_ =	strace $0x90000047  }
0x43: {  	s0 =	sadd.s32 @!p0 $0x100000, s0;
	[bflag:$0x2] =	sbarrier.arrive $0xFFFF  }
0x44: {  	[sflag:s0] =	ssyncadd.tile.s32 @!p0 $0x1;
	_ =	shalt  }
.Lfunc_end2:
_tile_overlayer_lowered:
.L_overlay_start_2:
0x45: {  	(tag) =	ssettag $0x2  }
0x46: {  	s0 =	rddreg [dreg:$0x0];
	s2 =	stileid.u32  }
0x47: {  	s1 =	rddreg [dreg:$0x1];
	p0 =	sne.s32 s2, $0x0  }
0x48: {  	s3 =	rddreg [dreg:$0x2];
	[bflag:$0x3] =	sbarrier.arrive $0xFFFF;
	s2 =	simm.s32 @!p0 $0x1C01  }
0x49: {  	[timem:s3], [sflag:s2] =	dma.local @!p0 [hbm:s0], s1  }
0x4a: {  	s0 =	simm.s32 @!p0 $0x1  }
0x4b: {  	_ =	swait.ge @!p0 [sflag:s0], s1  }
0x4c: {  	s1 =	ssub.s32 @!p0 $0x0, s1;
	[sflag:s0] =	ssyncset.done @!p0 $0x0  }
0x4d: {  	[sflag:s0] =	ssyncadd.s32 @!p0 s1  }
0x4e: {  	[bflag:$0x3] =	sbarrier.arrive $0xFFFF  }
0x4f: {  	_ =	shalt  }

</sc_bundles>
